<compile_context>
chip_gen: v7x
topology: tpu7x:2x2x1
jax: 0.10.2.dev20260603
libtpu: 0.0.44.dev20260713+nightly
codegen_flags: <defaults>
</compile_context>

<pallas_src>
import functools

import jax
import jax.numpy as jnp
import numpy as np
from jax import lax
from jax.experimental import pallas as pl
from jax.experimental.pallas import tpu as pltpu, tpu_sc as plsc

NC = 2
NS = 16
NW = NC * NS

CHUNK = 128


def _col_permutation(dim):
    perm = np.zeros(dim, dtype=np.int32)
    for d0 in range(0, dim, 32):
        for i in range(16):
            perm[d0 + 2 * i] = d0 + i
            perm[d0 + 2 * i + 1] = d0 + 16 + i
    return perm


def _make_sc_kernel(n_rows, chars, vocab, dim):
    rows_per_w = n_rows // NW
    n_chunks = rows_per_w // CHUNK
    assert n_chunks % 2 == 0
    idx_rows = (CHUNK * chars) // 128
    w_idx_rows = n_chunks * idx_rows

    mesh = plsc.VectorSubcoreMesh(core_axis_name="c", subcore_axis_name="s")

    @functools.partial(
        pl.kernel,
        mesh=mesh,
        compiler_params=pltpu.CompilerParams(
            use_tc_tiling_on_sc=False, needs_layout_passes=False),
        out_type=jax.ShapeDtypeStruct((n_rows, dim), jnp.float32),
        scratch_types=[
            pltpu.VMEM((w_idx_rows, 128), jnp.int32),
            pltpu.VMEM((2, CHUNK, dim), jnp.bfloat16),
            pltpu.VMEM((2, CHUNK, dim), jnp.float32),
            pltpu.SemaphoreType.DMA,
            pltpu.SemaphoreType.DMA,
            pltpu.SemaphoreType.DMA,
            pltpu.SemaphoreType.DMA,
            pltpu.SemaphoreType.DMA,
        ],
    )
    def embed_sum(idx_hbm, table_hbm, out_hbm, idx_v, acc_v, fout_v,
                  sem_i, sem_g0, sem_g1, sem_o0, sem_o1):
        wid = lax.axis_index("s") * NC + lax.axis_index("c")
        sem_g = [sem_g0, sem_g1]
        sem_o = [sem_o0, sem_o1]

        irow0 = pl.multiple_of(wid * w_idx_rows, 8)
        pltpu.sync_copy(idx_hbm.at[pl.ds(irow0, w_idx_rows)], idx_v)

        def base_of(g):
            return pl.multiple_of(wid * rows_per_w + g * CHUNK, CHUNK)

        def start_gathers(g, b):
            for j in range(idx_rows):
                pltpu.async_copy(
                    table_hbm.at[idx_v.at[g * idx_rows + j]],
                    acc_v.at[b],
                    sem_g[b],
                    add=True,
                )

        def wait_gathers(b):
            for _ in range(idx_rows):
                pltpu.make_async_copy(
                    table_hbm.at[idx_v.at[0]], acc_v.at[b], sem_g[b]).wait()

        def out_copy(g, b):
            return pltpu.make_async_copy(
                fout_v.at[b], out_hbm.at[pl.ds(base_of(g), CHUNK)], sem_o[b])

        zero = jnp.zeros((32,), jnp.bfloat16)

        def zero_acc(b):
            av = acc_v.at[b]

            def zb(c, carry):
                for d in range(dim // 32):
                    av[c, pl.ds(d * 32, 32)] = zero
                return carry

            lax.fori_loop(0, CHUNK, zb, 0, unroll=4)

        himask = jnp.full((16,), -65536, jnp.int32)

        def widen_acc(b):
            av = acc_v.at[b]
            fv = fout_v.at[b]

            def wb(c, carry):
                for d0 in range(0, dim, 32):
                    w = plsc.bitcast(av[c, pl.ds(d0, 32)], jnp.int32)
                    lo = plsc.bitcast(lax.shift_left(w, 16), jnp.float32)
                    hi = plsc.bitcast(lax.bitwise_and(w, himask), jnp.float32)
                    fv[c, pl.ds(d0, 16)] = lo
                    fv[c, pl.ds(d0 + 16, 16)] = hi
                return carry

            lax.fori_loop(0, CHUNK, wb, 0, unroll=2)

        def pair_body(gg, carry):
            for b in range(2):
                g = gg * 2 + b
                nb = 1 - b

                @pl.when(g >= 2)
                def _():
                    out_copy(g - 2, b).wait()

                zero_acc(b)
                start_gathers(g, b)

                @pl.when(g >= 1)
                def _():
                    wait_gathers(nb)
                    widen_acc(nb)
                    out_copy(g - 1, nb).start()

            return carry

        lax.fori_loop(0, n_chunks // 2, pair_body, 0)
        wait_gathers(1)
        widen_acc(1)
        out_copy(n_chunks - 1, 1).start()
        out_copy(n_chunks - 2, 0).wait()
        out_copy(n_chunks - 1, 1).wait()

    return embed_sum


def kernel(morphemes, table):
    b, s, chars = morphemes.shape
    vocab, dim = table.shape
    n_rows = b * s
    idx2d = (
        morphemes.reshape(n_rows // 128, 128, chars)
        .transpose(0, 2, 1)
        .reshape((n_rows * chars) // 128, 128)
    )
    tbl = table.astype(jnp.bfloat16)[:, _col_permutation(dim)]
    fn = _make_sc_kernel(n_rows, chars, vocab, dim)
    out = fn(idx2d, tbl)
    return out.reshape(b, s, dim)

# --- scband reference (transcript-rebuilt; emitter-appended) ---
"""Pipeline reference for scband-embed-by-summing-37168646980428 (READ-ONLY COPY).

The authoritative reference and input builder live on the scoring server;
editing this copy changes nothing except your own understanding.
"""

import jax, jax.numpy as jnp
import numpy as np

VOCAB = 100000
EMBED_DIM = 64
BATCH = 4096
SEQ = 50
CHARS = 8


def setup_inputs(seed: int = 0) -> dict:
    key = jax.random.key(seed)
    k_idx, k_tab = jax.random.split(key)
    morphemes = jax.random.randint(k_idx, (BATCH, SEQ, CHARS), 0, VOCAB, dtype=jnp.int32)
    table = jax.random.normal(k_tab, (VOCAB, EMBED_DIM), dtype=jnp.float32)
    return {"morphemes": morphemes, "table": table}


def reference(morphemes, table):
    # nn.Embedding lookup: [B, S, C] -> [B, S, C, D]
    embedded = jnp.take(table, morphemes, axis=0)
    # torch.sum(..., dim=2): sum over chars-per-morpheme -> [B, S, D]
    return jnp.sum(embedded, axis=2)

if __name__ == "__main__":
    import jax
    _d = setup_inputs()
    print(jax.jit(kernel)(*tuple(_d.values())))

</pallas_src>

<mosaic_0001>
#map = affine_map<(d0, d1) -> (0, 0)>
module attributes {stable_mosaic.version = 14 : i64} {
  func.func @embed_sum(%arg0: i32, %arg1: i32, %arg2: memref<12800x128xi32, #tpu.memory_space<hbm>>, %arg3: memref<100000x64xbf16, #tpu.memory_space<hbm>>, %arg4: memref<204800x64xf32, #tpu.memory_space<hbm>>, %arg5: memref<400x128xi32, #tpu.memory_space<vmem>>, %arg6: memref<2x128x64xbf16, #tpu.memory_space<vmem>>, %arg7: memref<2x128x64xf32, #tpu.memory_space<vmem>>, %arg8: memref<!tpu.dma_semaphore, #tpu.memory_space<semaphore_mem>>, %arg9: memref<!tpu.dma_semaphore, #tpu.memory_space<semaphore_mem>>, %arg10: memref<!tpu.dma_semaphore, #tpu.memory_space<semaphore_mem>>, %arg11: memref<!tpu.dma_semaphore, #tpu.memory_space<semaphore_mem>>, %arg12: memref<!tpu.dma_semaphore, #tpu.memory_space<semaphore_mem>>) attributes {dimension_semantics = [#tpu.dimension_semantics<core_parallel>, #tpu.dimension_semantics<subcore_parallel>], iteration_bounds = array<i64: 2, 16>, scalar_prefetch = 0 : i64, scratch_operands = 8 : i64, tpu.core_type = #tpu.core_type<sc_vector_subcore>, window_params = [{transform_indices = #map}, {transform_indices = #map}, {transform_indices = #map}]} {
    %mul3A = arith.constant 2 : i32
    %mul3A_0 = arith.muli %arg1, %mul3A : i32
    %add3A = arith.addi %mul3A_0, %arg0 : i32
    %mul3A_1 = arith.constant 400 : i32
    %mul3A_2 = arith.muli %add3A, %mul3A_1 : i32
    %multiple_of3A = tpu.assume_multiple %mul3A_2, 8 : i32
    "tpu.region"() ({
      %run_scoped3A = tpu.sem_alloc : memref<!tpu.dma_semaphore, #tpu.memory_space<semaphore_mem>>
      %dma_start3A_167 = arith.constant 0 : i32
      %dma_start3A_168 = tpu.memref_slice %arg2[%multiple_of3A, %dma_start3A_167] : memref<12800x128xi32, #tpu.memory_space<hbm>> -> memref<400x128xi32, #tpu.memory_space<hbm>>
      %dma_start3A_169 = arith.constant 0 : i32
      %dma_start3A_170 = tpu.memref_slice %arg2[%multiple_of3A, %dma_start3A_169] : memref<12800x128xi32, #tpu.memory_space<hbm>> -> memref<400x128xi32, #tpu.memory_space<hbm>>
      tpu.enqueue_dma source(%dma_start3A_170 : memref<400x128xi32, #tpu.memory_space<hbm>>) target(%arg5 : memref<400x128xi32, #tpu.memory_space<vmem>>) target_semaphore(%run_scoped3A : memref<!tpu.dma_semaphore, #tpu.memory_space<semaphore_mem>>)
      %dma_wait3A_171 = arith.constant 0 : i32
      %dma_wait3A_172 = tpu.memref_slice %arg2[%multiple_of3A, %dma_wait3A_171] : memref<12800x128xi32, #tpu.memory_space<hbm>> -> memref<400x128xi32, #tpu.memory_space<hbm>>
      %dma_wait3A_173 = arith.constant 0 : i32
      %dma_wait3A_174 = tpu.memref_slice %arg2[%multiple_of3A, %dma_wait3A_173] : memref<12800x128xi32, #tpu.memory_space<hbm>> -> memref<400x128xi32, #tpu.memory_space<hbm>>
      tpu.wait_dma2 semaphore(%run_scoped3A : memref<!tpu.dma_semaphore, #tpu.memory_space<semaphore_mem>>) src(%dma_wait3A_174 : memref<400x128xi32, #tpu.memory_space<hbm>>) dst(%arg5 : memref<400x128xi32, #tpu.memory_space<vmem>>)
      tpu.yield
    }) : () -> ()
    %broadcast_in_dim3A = arith.constant 0.000000e+00 : bf16
    %broadcast_in_dim3A_3 = vector.broadcast %broadcast_in_dim3A : bf16 to vector<32xbf16>
    %broadcast_in_dim3A_4 = arith.constant -65536 : i32
    %broadcast_in_dim3A_5 = vector.broadcast %broadcast_in_dim3A_4 : i32 to vector<16xi32>
    %scan3A = arith.constant 0 : i32
    %scan3A_6 = arith.constant 0 : i32
    %scan3A_7 = arith.constant 25 : i32
    %scan3A_8 = arith.addi %scan3A_6, %scan3A_7 : i32
    %scan3A_9 = arith.constant 1 : i32
    scf.for %scan3A_167 = %scan3A_6 to %scan3A_8 step %scan3A_9  : i32 {
      %mul3A_168 = arith.constant 2 : i32
      %mul3A_169 = arith.muli %scan3A_167, %mul3A_168 : i32
      %add3A_170 = arith.constant 0 : i32
      %add3A_171 = arith.addi %mul3A_169, %add3A_170 : i32
      %ge3A = arith.constant 2 : i32
      %ge3A_172 = arith.cmpi sge, %add3A_171, %ge3A : i32
      %convert_element_type3A = arith.extui %ge3A_172 : i1 to i32
      %cond3A = arith.constant 0 : i32
      %cond3A_173 = arith.cmpi ne, %convert_element_type3A, %cond3A : i32
      scf.if %cond3A_173 {
        %sub3A = arith.constant 2 : i32
        %sub3A_447 = arith.subi %add3A_171, %sub3A : i32
        %mul3A_448 = arith.constant 6400 : i32
        %mul3A_449 = arith.muli %add3A, %mul3A_448 : i32
        %mul3A_450 = arith.constant 128 : i32
        %mul3A_451 = arith.muli %sub3A_447, %mul3A_450 : i32
        %add3A_452 = arith.addi %mul3A_449, %mul3A_451 : i32
        %multiple_of3A_453 = tpu.assume_multiple %add3A_452, 128 : i32
        %dma_wait3A_454 = arith.constant 0 : i32
        %dma_wait3A_455 = arith.constant 0 : i32
        %dma_wait3A_456 = arith.constant 0 : i32
        %dma_wait3A_457 = tpu.memref_slice %arg7[%dma_wait3A_454, %dma_wait3A_455, %dma_wait3A_456] : memref<2x128x64xf32, #tpu.memory_space<vmem>> -> memref<1x128x64xf32, #tpu.memory_space<vmem>>
        %dma_wait3A_458 = tpu.memref_squeeze %dma_wait3A_457 : memref<1x128x64xf32, #tpu.memory_space<vmem>> -> memref<128x64xf32, #tpu.memory_space<vmem>>
        %dma_wait3A_459 = arith.constant 0 : i32
        %dma_wait3A_460 = tpu.memref_slice %arg4[%multiple_of3A_453, %dma_wait3A_459] : memref<204800x64xf32, #tpu.memory_space<hbm>> -> memref<128x64xf32, #tpu.memory_space<hbm>>
        %dma_wait3A_461 = arith.constant 0 : i32
        %dma_wait3A_462 = tpu.memref_slice %arg4[%multiple_of3A_453, %dma_wait3A_461] : memref<204800x64xf32, #tpu.memory_space<hbm>> -> memref<128x64xf32, #tpu.memory_space<hbm>>
        %dma_wait3A_463 = arith.constant 0 : i32
        %dma_wait3A_464 = arith.constant 0 : i32
        %dma_wait3A_465 = tpu.memref_slice %arg7[%dma_wait3A_454, %dma_wait3A_463, %dma_wait3A_464] : memref<2x128x64xf32, #tpu.memory_space<vmem>> -> memref<1x128x64xf32, #tpu.memory_space<vmem>>
        %dma_wait3A_466 = tpu.memref_squeeze %dma_wait3A_465 : memref<1x128x64xf32, #tpu.memory_space<vmem>> -> memref<128x64xf32, #tpu.memory_space<vmem>>
        tpu.wait_dma2 semaphore(%arg11 : memref<!tpu.dma_semaphore, #tpu.memory_space<semaphore_mem>>) src(%dma_wait3A_466 : memref<128x64xf32, #tpu.memory_space<vmem>>) dst(%dma_wait3A_462 : memref<128x64xf32, #tpu.memory_space<hbm>>)
      } else {
      }
      %scan3A_174 = arith.constant 0 : i32
      %scan3A_175 = arith.constant 0 : i32
      %scan3A_176 = arith.constant 0 : i32
      %scan3A_177 = arith.constant 128 : i32
      %scan3A_178 = arith.addi %scan3A_176, %scan3A_177 : i32
      %scan3A_179 = arith.constant 4 : i32
      scf.for %scan3A_447 = %scan3A_176 to %scan3A_178 step %scan3A_179  : i32 {
        %swap3A = arith.constant 0 : i32
        %swap3A_448 = arith.constant 0 : i32
        %swap3A_449 = tpu.memref_slice %arg6[%scan3A_175, %swap3A, %swap3A_448] : memref<2x128x64xbf16, #tpu.memory_space<vmem>> -> memref<1x128x64xbf16, #tpu.memory_space<vmem>>
        %swap3A_450 = tpu.memref_squeeze %swap3A_449 : memref<1x128x64xbf16, #tpu.memory_space<vmem>> -> memref<128x64xbf16, #tpu.memory_space<vmem>>
        %swap3A_451 = arith.index_cast %scan3A_447 : i32 to index
        %swap3A_452 = arith.constant 0 : index
        %swap3A_453 = tpu.vector_load %swap3A_450[%swap3A_451, %swap3A_452] {strides = array<i32>} : memref<128x64xbf16, #tpu.memory_space<vmem>>, vector<32xbf16>,
        tpu.vector_store %swap3A_450[%swap3A_451, %swap3A_452], %broadcast_in_dim3A_3 {strides = array<i32>} : memref<128x64xbf16, #tpu.memory_space<vmem>>, vector<32xbf16>,
        %swap3A_454 = arith.constant 0 : i32
        %swap3A_455 = arith.constant 0 : i32
        %swap3A_456 = tpu.memref_slice %arg6[%scan3A_175, %swap3A_454, %swap3A_455] : memref<2x128x64xbf16, #tpu.memory_space<vmem>> -> memref<1x128x64xbf16, #tpu.memory_space<vmem>>
        %swap3A_457 = tpu.memref_squeeze %swap3A_456 : memref<1x128x64xbf16, #tpu.memory_space<vmem>> -> memref<128x64xbf16, #tpu.memory_space<vmem>>
        %swap3A_458 = arith.index_cast %scan3A_447 : i32 to index
        %swap3A_459 = arith.constant 32 : index
        %swap3A_460 = tpu.vector_load %swap3A_457[%swap3A_458, %swap3A_459] {strides = array<i32>} : memref<128x64xbf16, #tpu.memory_space<vmem>>, vector<32xbf16>,
        tpu.vector_store %swap3A_457[%swap3A_458, %swap3A_459], %broadcast_in_dim3A_3 {strides = array<i32>} : memref<128x64xbf16, #tpu.memory_space<vmem>>, vector<32xbf16>,
        %scan3A_461 = arith.constant 1 : i32
        %scan3A_462 = arith.addi %scan3A_447, %scan3A_461 : i32
        %swap3A_463 = arith.constant 0 : i32
        %swap3A_464 = arith.constant 0 : i32
        %swap3A_465 = tpu.memref_slice %arg6[%scan3A_175, %swap3A_463, %swap3A_464] : memref<2x128x64xbf16, #tpu.memory_space<vmem>> -> memref<1x128x64xbf16, #tpu.memory_space<vmem>>
        %swap3A_466 = tpu.memref_squeeze %swap3A_465 : memref<1x128x64xbf16, #tpu.memory_space<vmem>> -> memref<128x64xbf16, #tpu.memory_space<vmem>>
        %swap3A_467 = arith.index_cast %scan3A_462 : i32 to index
        %swap3A_468 = arith.constant 0 : index
        %swap3A_469 = tpu.vector_load %swap3A_466[%swap3A_467, %swap3A_468] {strides = array<i32>} : memref<128x64xbf16, #tpu.memory_space<vmem>>, vector<32xbf16>,
        tpu.vector_store %swap3A_466[%swap3A_467, %swap3A_468], %broadcast_in_dim3A_3 {strides = array<i32>} : memref<128x64xbf16, #tpu.memory_space<vmem>>, vector<32xbf16>,
        %swap3A_470 = arith.constant 0 : i32
        %swap3A_471 = arith.constant 0 : i32
        %swap3A_472 = tpu.memref_slice %arg6[%scan3A_175, %swap3A_470, %swap3A_471] : memref<2x128x64xbf16, #tpu.memory_space<vmem>> -> memref<1x128x64xbf16, #tpu.memory_space<vmem>>
        %swap3A_473 = tpu.memref_squeeze %swap3A_472 : memref<1x128x64xbf16, #tpu.memory_space<vmem>> -> memref<128x64xbf16, #tpu.memory_space<vmem>>
        %swap3A_474 = arith.index_cast %scan3A_462 : i32 to index
        %swap3A_475 = arith.constant 32 : index
        %swap3A_476 = tpu.vector_load %swap3A_473[%swap3A_474, %swap3A_475] {strides = array<i32>} : memref<128x64xbf16, #tpu.memory_space<vmem>>, vector<32xbf16>,
        tpu.vector_store %swap3A_473[%swap3A_474, %swap3A_475], %broadcast_in_dim3A_3 {strides = array<i32>} : memref<128x64xbf16, #tpu.memory_space<vmem>>, vector<32xbf16>,
        %scan3A_477 = arith.constant 2 : i32
        %scan3A_478 = arith.addi %scan3A_447, %scan3A_477 : i32
        %swap3A_479 = arith.constant 0 : i32
        %swap3A_480 = arith.constant 0 : i32
        %swap3A_481 = tpu.memref_slice %arg6[%scan3A_175, %swap3A_479, %swap3A_480] : memref<2x128x64xbf16, #tpu.memory_space<vmem>> -> memref<1x128x64xbf16, #tpu.memory_space<vmem>>
        %swap3A_482 = tpu.memref_squeeze %swap3A_481 : memref<1x128x64xbf16, #tpu.memory_space<vmem>> -> memref<128x64xbf16, #tpu.memory_space<vmem>>
        %swap3A_483 = arith.index_cast %scan3A_478 : i32 to index
        %swap3A_484 = arith.constant 0 : index
        %swap3A_485 = tpu.vector_load %swap3A_482[%swap3A_483, %swap3A_484] {strides = array<i32>} : memref<128x64xbf16, #tpu.memory_space<vmem>>, vector<32xbf16>,
        tpu.vector_store %swap3A_482[%swap3A_483, %swap3A_484], %broadcast_in_dim3A_3 {strides = array<i32>} : memref<128x64xbf16, #tpu.memory_space<vmem>>, vector<32xbf16>,
        %swap3A_486 = arith.constant 0 : i32
        %swap3A_487 = arith.constant 0 : i32
        %swap3A_488 = tpu.memref_slice %arg6[%scan3A_175, %swap3A_486, %swap3A_487] : memref<2x128x64xbf16, #tpu.memory_space<vmem>> -> memref<1x128x64xbf16, #tpu.memory_space<vmem>>
        %swap3A_489 = tpu.memref_squeeze %swap3A_488 : memref<1x128x64xbf16, #tpu.memory_space<vmem>> -> memref<128x64xbf16, #tpu.memory_space<vmem>>
        %swap3A_490 = arith.index_cast %scan3A_478 : i32 to index
        %swap3A_491 = arith.constant 32 : index
        %swap3A_492 = tpu.vector_load %swap3A_489[%swap3A_490, %swap3A_491] {strides = array<i32>} : memref<128x64xbf16, #tpu.memory_space<vmem>>, vector<32xbf16>,
        tpu.vector_store %swap3A_489[%swap3A_490, %swap3A_491], %broadcast_in_dim3A_3 {strides = array<i32>} : memref<128x64xbf16, #tpu.memory_space<vmem>>, vector<32xbf16>,
        %scan3A_493 = arith.constant 3 : i32
        %scan3A_494 = arith.addi %scan3A_447, %scan3A_493 : i32
        %swap3A_495 = arith.constant 0 : i32
        %swap3A_496 = arith.constant 0 : i32
        %swap3A_497 = tpu.memref_slice %arg6[%scan3A_175, %swap3A_495, %swap3A_496] : memref<2x128x64xbf16, #tpu.memory_space<vmem>> -> memref<1x128x64xbf16, #tpu.memory_space<vmem>>
        %swap3A_498 = tpu.memref_squeeze %swap3A_497 : memref<1x128x64xbf16, #tpu.memory_space<vmem>> -> memref<128x64xbf16, #tpu.memory_space<vmem>>
        %swap3A_499 = arith.index_cast %scan3A_494 : i32 to index
        %swap3A_500 = arith.constant 0 : index
        %swap3A_501 = tpu.vector_load %swap3A_498[%swap3A_499, %swap3A_500] {strides = array<i32>} : memref<128x64xbf16, #tpu.memory_space<vmem>>, vector<32xbf16>,
        tpu.vector_store %swap3A_498[%swap3A_499, %swap3A_500], %broadcast_in_dim3A_3 {strides = array<i32>} : memref<128x64xbf16, #tpu.memory_space<vmem>>, vector<32xbf16>,
        %swap3A_502 = arith.constant 0 : i32
        %swap3A_503 = arith.constant 0 : i32
        %swap3A_504 = tpu.memref_slice %arg6[%scan3A_175, %swap3A_502, %swap3A_503] : memref<2x128x64xbf16, #tpu.memory_space<vmem>> -> memref<1x128x64xbf16, #tpu.memory_space<vmem>>
        %swap3A_505 = tpu.memref_squeeze %swap3A_504 : memref<1x128x64xbf16, #tpu.memory_space<vmem>> -> memref<128x64xbf16, #tpu.memory_space<vmem>>
        %swap3A_506 = arith.index_cast %scan3A_494 : i32 to index
        %swap3A_507 = arith.constant 32 : index
        %swap3A_508 = tpu.vector_load %swap3A_505[%swap3A_506, %swap3A_507] {strides = array<i32>} : memref<128x64xbf16, #tpu.memory_space<vmem>>, vector<32xbf16>,
        tpu.vector_store %swap3A_505[%swap3A_506, %swap3A_507], %broadcast_in_dim3A_3 {strides = array<i32>} : memref<128x64xbf16, #tpu.memory_space<vmem>>, vector<32xbf16>,
      }
      %scan3A_180 = arith.constant 128 : i32
      %mul3A_181 = arith.constant 8 : i32
      %mul3A_182 = arith.muli %add3A_171, %mul3A_181 : i32
      %add3A_183 = arith.constant 0 : i32
      %add3A_184 = arith.addi %mul3A_182, %add3A_183 : i32
      %dma_start3A_185 = arith.constant 0 : i32
      %dma_start3A_186 = arith.constant 0 : i32
      %dma_start3A_187 = arith.constant 0 : i32
      %dma_start3A_188 = tpu.memref_slice %arg6[%dma_start3A_185, %dma_start3A_186, %dma_start3A_187] : memref<2x128x64xbf16, #tpu.memory_space<vmem>> -> memref<1x128x64xbf16, #tpu.memory_space<vmem>>
      %dma_start3A_189 = tpu.memref_squeeze %dma_start3A_188 : memref<1x128x64xbf16, #tpu.memory_space<vmem>> -> memref<128x64xbf16, #tpu.memory_space<vmem>>
      %dma_start3A_190 = arith.constant 0 : i32
      %dma_start3A_191 = tpu.memref_slice %arg5[%add3A_184, %dma_start3A_190] : memref<400x128xi32, #tpu.memory_space<vmem>> -> memref<1x128xi32, #tpu.memory_space<vmem>>
      %dma_start3A_192 = tpu.memref_squeeze %dma_start3A_191 : memref<1x128xi32, #tpu.memory_space<vmem>> -> memref<128xi32, #tpu.memory_space<vmem>>
      %dma_start3A_193 = arith.constant 0 : i32
      %dma_start3A_194 = arith.constant 0 : i32
      %dma_start3A_195 = tpu.memref_slice %arg3[%dma_start3A_193, %dma_start3A_194] : memref<100000x64xbf16, #tpu.memory_space<hbm>> -> memref<100000x64xbf16, #tpu.memory_space<hbm>>
      tpu.enqueue_indirect_dma source(%dma_start3A_195 : memref<100000x64xbf16, #tpu.memory_space<hbm>>) target(%dma_start3A_189 : memref<128x64xbf16, #tpu.memory_space<vmem>>) offsets(%dma_start3A_192 : memref<128xi32, #tpu.memory_space<vmem>>) semaphore(%arg9 : memref<!tpu.dma_semaphore, #tpu.memory_space<semaphore_mem>>) {add = true}
      %mul3A_196 = arith.constant 8 : i32
      %mul3A_197 = arith.muli %add3A_171, %mul3A_196 : i32
      %add3A_198 = arith.constant 1 : i32
      %add3A_199 = arith.addi %mul3A_197, %add3A_198 : i32
      %dma_start3A_200 = arith.constant 0 : i32
      %dma_start3A_201 = arith.constant 0 : i32
      %dma_start3A_202 = arith.constant 0 : i32
      %dma_start3A_203 = tpu.memref_slice %arg6[%dma_start3A_200, %dma_start3A_201, %dma_start3A_202] : memref<2x128x64xbf16, #tpu.memory_space<vmem>> -> memref<1x128x64xbf16, #tpu.memory_space<vmem>>
      %dma_start3A_204 = tpu.memref_squeeze %dma_start3A_203 : memref<1x128x64xbf16, #tpu.memory_space<vmem>> -> memref<128x64xbf16, #tpu.memory_space<vmem>>
      %dma_start3A_205 = arith.constant 0 : i32
      %dma_start3A_206 = tpu.memref_slice %arg5[%add3A_199, %dma_start3A_205] : memref<400x128xi32, #tpu.memory_space<vmem>> -> memref<1x128xi32, #tpu.memory_space<vmem>>
      %dma_start3A_207 = tpu.memref_squeeze %dma_start3A_206 : memref<1x128xi32, #tpu.memory_space<vmem>> -> memref<128xi32, #tpu.memory_space<vmem>>
      %dma_start3A_208 = arith.constant 0 : i32
      %dma_start3A_209 = arith.constant 0 : i32
      %dma_start3A_210 = tpu.memref_slice %arg3[%dma_start3A_208, %dma_start3A_209] : memref<100000x64xbf16, #tpu.memory_space<hbm>> -> memref<100000x64xbf16, #tpu.memory_space<hbm>>
      tpu.enqueue_indirect_dma source(%dma_start3A_210 : memref<100000x64xbf16, #tpu.memory_space<hbm>>) target(%dma_start3A_204 : memref<128x64xbf16, #tpu.memory_space<vmem>>) offsets(%dma_start3A_207 : memref<128xi32, #tpu.memory_space<vmem>>) semaphore(%arg9 : memref<!tpu.dma_semaphore, #tpu.memory_space<semaphore_mem>>) {add = true}
      %mul3A_211 = arith.constant 8 : i32
      %mul3A_212 = arith.muli %add3A_171, %mul3A_211 : i32
      %add3A_213 = arith.constant 2 : i32
      %add3A_214 = arith.addi %mul3A_212, %add3A_213 : i32
      %dma_start3A_215 = arith.constant 0 : i32
      %dma_start3A_216 = arith.constant 0 : i32
      %dma_start3A_217 = arith.constant 0 : i32
      %dma_start3A_218 = tpu.memref_slice %arg6[%dma_start3A_215, %dma_start3A_216, %dma_start3A_217] : memref<2x128x64xbf16, #tpu.memory_space<vmem>> -> memref<1x128x64xbf16, #tpu.memory_space<vmem>>
      %dma_start3A_219 = tpu.memref_squeeze %dma_start3A_218 : memref<1x128x64xbf16, #tpu.memory_space<vmem>> -> memref<128x64xbf16, #tpu.memory_space<vmem>>
      %dma_start3A_220 = arith.constant 0 : i32
      %dma_start3A_221 = tpu.memref_slice %arg5[%add3A_214, %dma_start3A_220] : memref<400x128xi32, #tpu.memory_space<vmem>> -> memref<1x128xi32, #tpu.memory_space<vmem>>
      %dma_start3A_222 = tpu.memref_squeeze %dma_start3A_221 : memref<1x128xi32, #tpu.memory_space<vmem>> -> memref<128xi32, #tpu.memory_space<vmem>>
      %dma_start3A_223 = arith.constant 0 : i32
      %dma_start3A_224 = arith.constant 0 : i32
      %dma_start3A_225 = tpu.memref_slice %arg3[%dma_start3A_223, %dma_start3A_224] : memref<100000x64xbf16, #tpu.memory_space<hbm>> -> memref<100000x64xbf16, #tpu.memory_space<hbm>>
      tpu.enqueue_indirect_dma source(%dma_start3A_225 : memref<100000x64xbf16, #tpu.memory_space<hbm>>) target(%dma_start3A_219 : memref<128x64xbf16, #tpu.memory_space<vmem>>) offsets(%dma_start3A_222 : memref<128xi32, #tpu.memory_space<vmem>>) semaphore(%arg9 : memref<!tpu.dma_semaphore, #tpu.memory_space<semaphore_mem>>) {add = true}
      %mul3A_226 = arith.constant 8 : i32
      %mul3A_227 = arith.muli %add3A_171, %mul3A_226 : i32
      %add3A_228 = arith.constant 3 : i32
      %add3A_229 = arith.addi %mul3A_227, %add3A_228 : i32
      %dma_start3A_230 = arith.constant 0 : i32
      %dma_start3A_231 = arith.constant 0 : i32
      %dma_start3A_232 = arith.constant 0 : i32
      %dma_start3A_233 = tpu.memref_slice %arg6[%dma_start3A_230, %dma_start3A_231, %dma_start3A_232] : memref<2x128x64xbf16, #tpu.memory_space<vmem>> -> memref<1x128x64xbf16, #tpu.memory_space<vmem>>
      %dma_start3A_234 = tpu.memref_squeeze %dma_start3A_233 : memref<1x128x64xbf16, #tpu.memory_space<vmem>> -> memref<128x64xbf16, #tpu.memory_space<vmem>>
      %dma_start3A_235 = arith.constant 0 : i32
      %dma_start3A_236 = tpu.memref_slice %arg5[%add3A_229, %dma_start3A_235] : memref<400x128xi32, #tpu.memory_space<vmem>> -> memref<1x128xi32, #tpu.memory_space<vmem>>
      %dma_start3A_237 = tpu.memref_squeeze %dma_start3A_236 : memref<1x128xi32, #tpu.memory_space<vmem>> -> memref<128xi32, #tpu.memory_space<vmem>>
      %dma_start3A_238 = arith.constant 0 : i32
      %dma_start3A_239 = arith.constant 0 : i32
      %dma_start3A_240 = tpu.memref_slice %arg3[%dma_start3A_238, %dma_start3A_239] : memref<100000x64xbf16, #tpu.memory_space<hbm>> -> memref<100000x64xbf16, #tpu.memory_space<hbm>>
      tpu.enqueue_indirect_dma source(%dma_start3A_240 : memref<100000x64xbf16, #tpu.memory_space<hbm>>) target(%dma_start3A_234 : memref<128x64xbf16, #tpu.memory_space<vmem>>) offsets(%dma_start3A_237 : memref<128xi32, #tpu.memory_space<vmem>>) semaphore(%arg9 : memref<!tpu.dma_semaphore, #tpu.memory_space<semaphore_mem>>) {add = true}
      %mul3A_241 = arith.constant 8 : i32
      %mul3A_242 = arith.muli %add3A_171, %mul3A_241 : i32
      %add3A_243 = arith.constant 4 : i32
      %add3A_244 = arith.addi %mul3A_242, %add3A_243 : i32
      %dma_start3A_245 = arith.constant 0 : i32
      %dma_start3A_246 = arith.constant 0 : i32
      %dma_start3A_247 = arith.constant 0 : i32
      %dma_start3A_248 = tpu.memref_slice %arg6[%dma_start3A_245, %dma_start3A_246, %dma_start3A_247] : memref<2x128x64xbf16, #tpu.memory_space<vmem>> -> memref<1x128x64xbf16, #tpu.memory_space<vmem>>
      %dma_start3A_249 = tpu.memref_squeeze %dma_start3A_248 : memref<1x128x64xbf16, #tpu.memory_space<vmem>> -> memref<128x64xbf16, #tpu.memory_space<vmem>>
      %dma_start3A_250 = arith.constant 0 : i32
      %dma_start3A_251 = tpu.memref_slice %arg5[%add3A_244, %dma_start3A_250] : memref<400x128xi32, #tpu.memory_space<vmem>> -> memref<1x128xi32, #tpu.memory_space<vmem>>
      %dma_start3A_252 = tpu.memref_squeeze %dma_start3A_251 : memref<1x128xi32, #tpu.memory_space<vmem>> -> memref<128xi32, #tpu.memory_space<vmem>>
      %dma_start3A_253 = arith.constant 0 : i32
      %dma_start3A_254 = arith.constant 0 : i32
      %dma_start3A_255 = tpu.memref_slice %arg3[%dma_start3A_253, %dma_start3A_254] : memref<100000x64xbf16, #tpu.memory_space<hbm>> -> memref<100000x64xbf16, #tpu.memory_space<hbm>>
      tpu.enqueue_indirect_dma source(%dma_start3A_255 : memref<100000x64xbf16, #tpu.memory_space<hbm>>) target(%dma_start3A_249 : memref<128x64xbf16, #tpu.memory_space<vmem>>) offsets(%dma_start3A_252 : memref<128xi32, #tpu.memory_space<vmem>>) semaphore(%arg9 : memref<!tpu.dma_semaphore, #tpu.memory_space<semaphore_mem>>) {add = true}
      %mul3A_256 = arith.constant 8 : i32
      %mul3A_257 = arith.muli %add3A_171, %mul3A_256 : i32
      %add3A_258 = arith.constant 5 : i32
      %add3A_259 = arith.addi %mul3A_257, %add3A_258 : i32
      %dma_start3A_260 = arith.constant 0 : i32
      %dma_start3A_261 = arith.constant 0 : i32
      %dma_start3A_262 = arith.constant 0 : i32
      %dma_start3A_263 = tpu.memref_slice %arg6[%dma_start3A_260, %dma_start3A_261, %dma_start3A_262] : memref<2x128x64xbf16, #tpu.memory_space<vmem>> -> memref<1x128x64xbf16, #tpu.memory_space<vmem>>
      %dma_start3A_264 = tpu.memref_squeeze %dma_start3A_263 : memref<1x128x64xbf16, #tpu.memory_space<vmem>> -> memref<128x64xbf16, #tpu.memory_space<vmem>>
      %dma_start3A_265 = arith.constant 0 : i32
      %dma_start3A_266 = tpu.memref_slice %arg5[%add3A_259, %dma_start3A_265] : memref<400x128xi32, #tpu.memory_space<vmem>> -> memref<1x128xi32, #tpu.memory_space<vmem>>
      %dma_start3A_267 = tpu.memref_squeeze %dma_start3A_266 : memref<1x128xi32, #tpu.memory_space<vmem>> -> memref<128xi32, #tpu.memory_space<vmem>>
      %dma_start3A_268 = arith.constant 0 : i32
      %dma_start3A_269 = arith.constant 0 : i32
      %dma_start3A_270 = tpu.memref_slice %arg3[%dma_start3A_268, %dma_start3A_269] : memref<100000x64xbf16, #tpu.memory_space<hbm>> -> memref<100000x64xbf16, #tpu.memory_space<hbm>>
      tpu.enqueue_indirect_dma source(%dma_start3A_270 : memref<100000x64xbf16, #tpu.memory_space<hbm>>) target(%dma_start3A_264 : memref<128x64xbf16, #tpu.memory_space<vmem>>) offsets(%dma_start3A_267 : memref<128xi32, #tpu.memory_space<vmem>>) semaphore(%arg9 : memref<!tpu.dma_semaphore, #tpu.memory_space<semaphore_mem>>) {add = true}
      %mul3A_271 = arith.constant 8 : i32
      %mul3A_272 = arith.muli %add3A_171, %mul3A_271 : i32
      %add3A_273 = arith.constant 6 : i32
      %add3A_274 = arith.addi %mul3A_272, %add3A_273 : i32
      %dma_start3A_275 = arith.constant 0 : i32
      %dma_start3A_276 = arith.constant 0 : i32
      %dma_start3A_277 = arith.constant 0 : i32
      %dma_start3A_278 = tpu.memref_slice %arg6[%dma_start3A_275, %dma_start3A_276, %dma_start3A_277] : memref<2x128x64xbf16, #tpu.memory_space<vmem>> -> memref<1x128x64xbf16, #tpu.memory_space<vmem>>
      %dma_start3A_279 = tpu.memref_squeeze %dma_start3A_278 : memref<1x128x64xbf16, #tpu.memory_space<vmem>> -> memref<128x64xbf16, #tpu.memory_space<vmem>>
      %dma_start3A_280 = arith.constant 0 : i32
      %dma_start3A_281 = tpu.memref_slice %arg5[%add3A_274, %dma_start3A_280] : memref<400x128xi32, #tpu.memory_space<vmem>> -> memref<1x128xi32, #tpu.memory_space<vmem>>
      %dma_start3A_282 = tpu.memref_squeeze %dma_start3A_281 : memref<1x128xi32, #tpu.memory_space<vmem>> -> memref<128xi32, #tpu.memory_space<vmem>>
      %dma_start3A_283 = arith.constant 0 : i32
      %dma_start3A_284 = arith.constant 0 : i32
      %dma_start3A_285 = tpu.memref_slice %arg3[%dma_start3A_283, %dma_start3A_284] : memref<100000x64xbf16, #tpu.memory_space<hbm>> -> memref<100000x64xbf16, #tpu.memory_space<hbm>>
      tpu.enqueue_indirect_dma source(%dma_start3A_285 : memref<100000x64xbf16, #tpu.memory_space<hbm>>) target(%dma_start3A_279 : memref<128x64xbf16, #tpu.memory_space<vmem>>) offsets(%dma_start3A_282 : memref<128xi32, #tpu.memory_space<vmem>>) semaphore(%arg9 : memref<!tpu.dma_semaphore, #tpu.memory_space<semaphore_mem>>) {add = true}
      %mul3A_286 = arith.constant 8 : i32
      %mul3A_287 = arith.muli %add3A_171, %mul3A_286 : i32
      %add3A_288 = arith.constant 7 : i32
      %add3A_289 = arith.addi %mul3A_287, %add3A_288 : i32
      %dma_start3A_290 = arith.constant 0 : i32
      %dma_start3A_291 = arith.constant 0 : i32
      %dma_start3A_292 = arith.constant 0 : i32
      %dma_start3A_293 = tpu.memref_slice %arg6[%dma_start3A_290, %dma_start3A_291, %dma_start3A_292] : memref<2x128x64xbf16, #tpu.memory_space<vmem>> -> memref<1x128x64xbf16, #tpu.memory_space<vmem>>
      %dma_start3A_294 = tpu.memref_squeeze %dma_start3A_293 : memref<1x128x64xbf16, #tpu.memory_space<vmem>> -> memref<128x64xbf16, #tpu.memory_space<vmem>>
      %dma_start3A_295 = arith.constant 0 : i32
      %dma_start3A_296 = tpu.memref_slice %arg5[%add3A_289, %dma_start3A_295] : memref<400x128xi32, #tpu.memory_space<vmem>> -> memref<1x128xi32, #tpu.memory_space<vmem>>
      %dma_start3A_297 = tpu.memref_squeeze %dma_start3A_296 : memref<1x128xi32, #tpu.memory_space<vmem>> -> memref<128xi32, #tpu.memory_space<vmem>>
      %dma_start3A_298 = arith.constant 0 : i32
      %dma_start3A_299 = arith.constant 0 : i32
      %dma_start3A_300 = tpu.memref_slice %arg3[%dma_start3A_298, %dma_start3A_299] : memref<100000x64xbf16, #tpu.memory_space<hbm>> -> memref<100000x64xbf16, #tpu.memory_space<hbm>>
      tpu.enqueue_indirect_dma source(%dma_start3A_300 : memref<100000x64xbf16, #tpu.memory_space<hbm>>) target(%dma_start3A_294 : memref<128x64xbf16, #tpu.memory_space<vmem>>) offsets(%dma_start3A_297 : memref<128xi32, #tpu.memory_space<vmem>>) semaphore(%arg9 : memref<!tpu.dma_semaphore, #tpu.memory_space<semaphore_mem>>) {add = true}
      %ge3A_301 = arith.constant 1 : i32
      %ge3A_302 = arith.cmpi sge, %add3A_171, %ge3A_301 : i32
      %convert_element_type3A_303 = arith.extui %ge3A_302 : i1 to i32
      %cond3A_304 = arith.constant 0 : i32
      %cond3A_305 = arith.cmpi ne, %convert_element_type3A_303, %cond3A_304 : i32
      scf.if %cond3A_305 {
        %dma_wait3A_447 = arith.constant 0 : i32
        %dma_wait3A_448 = arith.constant 1 : i32
        %dma_wait3A_449 = arith.constant 0 : i32
        %dma_wait3A_450 = arith.constant 0 : i32
        %dma_wait3A_451 = tpu.memref_slice %arg6[%dma_wait3A_448, %dma_wait3A_449, %dma_wait3A_450] : memref<2x128x64xbf16, #tpu.memory_space<vmem>> -> memref<1x128x64xbf16, #tpu.memory_space<vmem>>
        %dma_wait3A_452 = tpu.memref_squeeze %dma_wait3A_451 : memref<1x128x64xbf16, #tpu.memory_space<vmem>> -> memref<128x64xbf16, #tpu.memory_space<vmem>>
        %dma_wait3A_453 = arith.constant 0 : i32
        %dma_wait3A_454 = tpu.memref_slice %arg5[%dma_wait3A_447, %dma_wait3A_453] : memref<400x128xi32, #tpu.memory_space<vmem>> -> memref<1x128xi32, #tpu.memory_space<vmem>>
        %dma_wait3A_455 = tpu.memref_squeeze %dma_wait3A_454 : memref<1x128xi32, #tpu.memory_space<vmem>> -> memref<128xi32, #tpu.memory_space<vmem>>
        %dma_wait3A_456 = arith.constant 0 : i32
        %dma_wait3A_457 = arith.constant 0 : i32
        %dma_wait3A_458 = tpu.memref_slice %arg3[%dma_wait3A_456, %dma_wait3A_457] : memref<100000x64xbf16, #tpu.memory_space<hbm>> -> memref<100000x64xbf16, #tpu.memory_space<hbm>>
        tpu.wait_indirect_dma semaphore(%arg10 : memref<!tpu.dma_semaphore, #tpu.memory_space<semaphore_mem>>) src(%dma_wait3A_458 : memref<100000x64xbf16, #tpu.memory_space<hbm>>) dst(%dma_wait3A_452 : memref<128x64xbf16, #tpu.memory_space<vmem>>)
        %dma_wait3A_459 = arith.constant 0 : i32
        %dma_wait3A_460 = arith.constant 1 : i32
        %dma_wait3A_461 = arith.constant 0 : i32
        %dma_wait3A_462 = arith.constant 0 : i32
        %dma_wait3A_463 = tpu.memref_slice %arg6[%dma_wait3A_460, %dma_wait3A_461, %dma_wait3A_462] : memref<2x128x64xbf16, #tpu.memory_space<vmem>> -> memref<1x128x64xbf16, #tpu.memory_space<vmem>>
        %dma_wait3A_464 = tpu.memref_squeeze %dma_wait3A_463 : memref<1x128x64xbf16, #tpu.memory_space<vmem>> -> memref<128x64xbf16, #tpu.memory_space<vmem>>
        %dma_wait3A_465 = arith.constant 0 : i32
        %dma_wait3A_466 = tpu.memref_slice %arg5[%dma_wait3A_459, %dma_wait3A_465] : memref<400x128xi32, #tpu.memory_space<vmem>> -> memref<1x128xi32, #tpu.memory_space<vmem>>
        %dma_wait3A_467 = tpu.memref_squeeze %dma_wait3A_466 : memref<1x128xi32, #tpu.memory_space<vmem>> -> memref<128xi32, #tpu.memory_space<vmem>>
        %dma_wait3A_468 = arith.constant 0 : i32
        %dma_wait3A_469 = arith.constant 0 : i32
        %dma_wait3A_470 = tpu.memref_slice %arg3[%dma_wait3A_468, %dma_wait3A_469] : memref<100000x64xbf16, #tpu.memory_space<hbm>> -> memref<100000x64xbf16, #tpu.memory_space<hbm>>
        tpu.wait_indirect_dma semaphore(%arg10 : memref<!tpu.dma_semaphore, #tpu.memory_space<semaphore_mem>>) src(%dma_wait3A_470 : memref<100000x64xbf16, #tpu.memory_space<hbm>>) dst(%dma_wait3A_464 : memref<128x64xbf16, #tpu.memory_space<vmem>>)
        %dma_wait3A_471 = arith.constant 0 : i32
        %dma_wait3A_472 = arith.constant 1 : i32
        %dma_wait3A_473 = arith.constant 0 : i32
        %dma_wait3A_474 = arith.constant 0 : i32
        %dma_wait3A_475 = tpu.memref_slice %arg6[%dma_wait3A_472, %dma_wait3A_473, %dma_wait3A_474] : memref<2x128x64xbf16, #tpu.memory_space<vmem>> -> memref<1x128x64xbf16, #tpu.memory_space<vmem>>
        %dma_wait3A_476 = tpu.memref_squeeze %dma_wait3A_475 : memref<1x128x64xbf16, #tpu.memory_space<vmem>> -> memref<128x64xbf16, #tpu.memory_space<vmem>>
        %dma_wait3A_477 = arith.constant 0 : i32
        %dma_wait3A_478 = tpu.memref_slice %arg5[%dma_wait3A_471, %dma_wait3A_477] : memref<400x128xi32, #tpu.memory_space<vmem>> -> memref<1x128xi32, #tpu.memory_space<vmem>>
        %dma_wait3A_479 = tpu.memref_squeeze %dma_wait3A_478 : memref<1x128xi32, #tpu.memory_space<vmem>> -> memref<128xi32, #tpu.memory_space<vmem>>
        %dma_wait3A_480 = arith.constant 0 : i32
        %dma_wait3A_481 = arith.constant 0 : i32
        %dma_wait3A_482 = tpu.memref_slice %arg3[%dma_wait3A_480, %dma_wait3A_481] : memref<100000x64xbf16, #tpu.memory_space<hbm>> -> memref<100000x64xbf16, #tpu.memory_space<hbm>>
        tpu.wait_indirect_dma semaphore(%arg10 : memref<!tpu.dma_semaphore, #tpu.memory_space<semaphore_mem>>) src(%dma_wait3A_482 : memref<100000x64xbf16, #tpu.memory_space<hbm>>) dst(%dma_wait3A_476 : memref<128x64xbf16, #tpu.memory_space<vmem>>)
        %dma_wait3A_483 = arith.constant 0 : i32
        %dma_wait3A_484 = arith.constant 1 : i32
        %dma_wait3A_485 = arith.constant 0 : i32
        %dma_wait3A_486 = arith.constant 0 : i32
        %dma_wait3A_487 = tpu.memref_slice %arg6[%dma_wait3A_484, %dma_wait3A_485, %dma_wait3A_486] : memref<2x128x64xbf16, #tpu.memory_space<vmem>> -> memref<1x128x64xbf16, #tpu.memory_space<vmem>>
        %dma_wait3A_488 = tpu.memref_squeeze %dma_wait3A_487 : memref<1x128x64xbf16, #tpu.memory_space<vmem>> -> memref<128x64xbf16, #tpu.memory_space<vmem>>
        %dma_wait3A_489 = arith.constant 0 : i32
        %dma_wait3A_490 = tpu.memref_slice %arg5[%dma_wait3A_483, %dma_wait3A_489] : memref<400x128xi32, #tpu.memory_space<vmem>> -> memref<1x128xi32, #tpu.memory_space<vmem>>
        %dma_wait3A_491 = tpu.memref_squeeze %dma_wait3A_490 : memref<1x128xi32, #tpu.memory_space<vmem>> -> memref<128xi32, #tpu.memory_space<vmem>>
        %dma_wait3A_492 = arith.constant 0 : i32
        %dma_wait3A_493 = arith.constant 0 : i32
        %dma_wait3A_494 = tpu.memref_slice %arg3[%dma_wait3A_492, %dma_wait3A_493] : memref<100000x64xbf16, #tpu.memory_space<hbm>> -> memref<100000x64xbf16, #tpu.memory_space<hbm>>
        tpu.wait_indirect_dma semaphore(%arg10 : memref<!tpu.dma_semaphore, #tpu.memory_space<semaphore_mem>>) src(%dma_wait3A_494 : memref<100000x64xbf16, #tpu.memory_space<hbm>>) dst(%dma_wait3A_488 : memref<128x64xbf16, #tpu.memory_space<vmem>>)
        %dma_wait3A_495 = arith.constant 0 : i32
        %dma_wait3A_496 = arith.constant 1 : i32
        %dma_wait3A_497 = arith.constant 0 : i32
        %dma_wait3A_498 = arith.constant 0 : i32
        %dma_wait3A_499 = tpu.memref_slice %arg6[%dma_wait3A_496, %dma_wait3A_497, %dma_wait3A_498] : memref<2x128x64xbf16, #tpu.memory_space<vmem>> -> memref<1x128x64xbf16, #tpu.memory_space<vmem>>
        %dma_wait3A_500 = tpu.memref_squeeze %dma_wait3A_499 : memref<1x128x64xbf16, #tpu.memory_space<vmem>> -> memref<128x64xbf16, #tpu.memory_space<vmem>>
        %dma_wait3A_501 = arith.constant 0 : i32
        %dma_wait3A_502 = tpu.memref_slice %arg5[%dma_wait3A_495, %dma_wait3A_501] : memref<400x128xi32, #tpu.memory_space<vmem>> -> memref<1x128xi32, #tpu.memory_space<vmem>>
        %dma_wait3A_503 = tpu.memref_squeeze %dma_wait3A_502 : memref<1x128xi32, #tpu.memory_space<vmem>> -> memref<128xi32, #tpu.memory_space<vmem>>
        %dma_wait3A_504 = arith.constant 0 : i32
        %dma_wait3A_505 = arith.constant 0 : i32
        %dma_wait3A_506 = tpu.memref_slice %arg3[%dma_wait3A_504, %dma_wait3A_505] : memref<100000x64xbf16, #tpu.memory_space<hbm>> -> memref<100000x64xbf16, #tpu.memory_space<hbm>>
        tpu.wait_indirect_dma semaphore(%arg10 : memref<!tpu.dma_semaphore, #tpu.memory_space<semaphore_mem>>) src(%dma_wait3A_506 : memref<100000x64xbf16, #tpu.memory_space<hbm>>) dst(%dma_wait3A_500 : memref<128x64xbf16, #tpu.memory_space<vmem>>)
        %dma_wait3A_507 = arith.constant 0 : i32
        %dma_wait3A_508 = arith.constant 1 : i32
        %dma_wait3A_509 = arith.constant 0 : i32
        %dma_wait3A_510 = arith.constant 0 : i32
        %dma_wait3A_511 = tpu.memref_slice %arg6[%dma_wait3A_508, %dma_wait3A_509, %dma_wait3A_510] : memref<2x128x64xbf16, #tpu.memory_space<vmem>> -> memref<1x128x64xbf16, #tpu.memory_space<vmem>>
        %dma_wait3A_512 = tpu.memref_squeeze %dma_wait3A_511 : memref<1x128x64xbf16, #tpu.memory_space<vmem>> -> memref<128x64xbf16, #tpu.memory_space<vmem>>
        %dma_wait3A_513 = arith.constant 0 : i32
        %dma_wait3A_514 = tpu.memref_slice %arg5[%dma_wait3A_507, %dma_wait3A_513] : memref<400x128xi32, #tpu.memory_space<vmem>> -> memref<1x128xi32, #tpu.memory_space<vmem>>
        %dma_wait3A_515 = tpu.memref_squeeze %dma_wait3A_514 : memref<1x128xi32, #tpu.memory_space<vmem>> -> memref<128xi32, #tpu.memory_space<vmem>>
        %dma_wait3A_516 = arith.constant 0 : i32
        %dma_wait3A_517 = arith.constant 0 : i32
        %dma_wait3A_518 = tpu.memref_slice %arg3[%dma_wait3A_516, %dma_wait3A_517] : memref<100000x64xbf16, #tpu.memory_space<hbm>> -> memref<100000x64xbf16, #tpu.memory_space<hbm>>
        tpu.wait_indirect_dma semaphore(%arg10 : memref<!tpu.dma_semaphore, #tpu.memory_space<semaphore_mem>>) src(%dma_wait3A_518 : memref<100000x64xbf16, #tpu.memory_space<hbm>>) dst(%dma_wait3A_512 : memref<128x64xbf16, #tpu.memory_space<vmem>>)
        %dma_wait3A_519 = arith.constant 0 : i32
        %dma_wait3A_520 = arith.constant 1 : i32
        %dma_wait3A_521 = arith.constant 0 : i32
        %dma_wait3A_522 = arith.constant 0 : i32
        %dma_wait3A_523 = tpu.memref_slice %arg6[%dma_wait3A_520, %dma_wait3A_521, %dma_wait3A_522] : memref<2x128x64xbf16, #tpu.memory_space<vmem>> -> memref<1x128x64xbf16, #tpu.memory_space<vmem>>
        %dma_wait3A_524 = tpu.memref_squeeze %dma_wait3A_523 : memref<1x128x64xbf16, #tpu.memory_space<vmem>> -> memref<128x64xbf16, #tpu.memory_space<vmem>>
        %dma_wait3A_525 = arith.constant 0 : i32
        %dma_wait3A_526 = tpu.memref_slice %arg5[%dma_wait3A_519, %dma_wait3A_525] : memref<400x128xi32, #tpu.memory_space<vmem>> -> memref<1x128xi32, #tpu.memory_space<vmem>>
        %dma_wait3A_527 = tpu.memref_squeeze %dma_wait3A_526 : memref<1x128xi32, #tpu.memory_space<vmem>> -> memref<128xi32, #tpu.memory_space<vmem>>
        %dma_wait3A_528 = arith.constant 0 : i32
        %dma_wait3A_529 = arith.constant 0 : i32
        %dma_wait3A_530 = tpu.memref_slice %arg3[%dma_wait3A_528, %dma_wait3A_529] : memref<100000x64xbf16, #tpu.memory_space<hbm>> -> memref<100000x64xbf16, #tpu.memory_space<hbm>>
        tpu.wait_indirect_dma semaphore(%arg10 : memref<!tpu.dma_semaphore, #tpu.memory_space<semaphore_mem>>) src(%dma_wait3A_530 : memref<100000x64xbf16, #tpu.memory_space<hbm>>) dst(%dma_wait3A_524 : memref<128x64xbf16, #tpu.memory_space<vmem>>)
        %dma_wait3A_531 = arith.constant 0 : i32
        %dma_wait3A_532 = arith.constant 1 : i32
        %dma_wait3A_533 = arith.constant 0 : i32
        %dma_wait3A_534 = arith.constant 0 : i32
        %dma_wait3A_535 = tpu.memref_slice %arg6[%dma_wait3A_532, %dma_wait3A_533, %dma_wait3A_534] : memref<2x128x64xbf16, #tpu.memory_space<vmem>> -> memref<1x128x64xbf16, #tpu.memory_space<vmem>>
        %dma_wait3A_536 = tpu.memref_squeeze %dma_wait3A_535 : memref<1x128x64xbf16, #tpu.memory_space<vmem>> -> memref<128x64xbf16, #tpu.memory_space<vmem>>
        %dma_wait3A_537 = arith.constant 0 : i32
        %dma_wait3A_538 = tpu.memref_slice %arg5[%dma_wait3A_531, %dma_wait3A_537] : memref<400x128xi32, #tpu.memory_space<vmem>> -> memref<1x128xi32, #tpu.memory_space<vmem>>
        %dma_wait3A_539 = tpu.memref_squeeze %dma_wait3A_538 : memref<1x128xi32, #tpu.memory_space<vmem>> -> memref<128xi32, #tpu.memory_space<vmem>>
        %dma_wait3A_540 = arith.constant 0 : i32
        %dma_wait3A_541 = arith.constant 0 : i32
        %dma_wait3A_542 = tpu.memref_slice %arg3[%dma_wait3A_540, %dma_wait3A_541] : memref<100000x64xbf16, #tpu.memory_space<hbm>> -> memref<100000x64xbf16, #tpu.memory_space<hbm>>
        tpu.wait_indirect_dma semaphore(%arg10 : memref<!tpu.dma_semaphore, #tpu.memory_space<semaphore_mem>>) src(%dma_wait3A_542 : memref<100000x64xbf16, #tpu.memory_space<hbm>>) dst(%dma_wait3A_536 : memref<128x64xbf16, #tpu.memory_space<vmem>>)
        %scan3A_543 = arith.constant 0 : i32
        %scan3A_544 = arith.constant 1 : i32
        %scan3A_545 = arith.constant 1 : i32
        %scan3A_546 = arith.constant 0 : i32
        %scan3A_547 = arith.constant 128 : i32
        %scan3A_548 = arith.addi %scan3A_546, %scan3A_547 : i32
        %scan3A_549 = arith.constant 2 : i32
        scf.for %scan3A_571 = %scan3A_546 to %scan3A_548 step %scan3A_549  : i32 {
          %get3A = arith.constant 0 : i32
          %get3A_572 = arith.constant 0 : i32
          %get3A_573 = tpu.memref_slice %arg6[%scan3A_544, %get3A, %get3A_572] : memref<2x128x64xbf16, #tpu.memory_space<vmem>> -> memref<1x128x64xbf16, #tpu.memory_space<vmem>>
          %get3A_574 = tpu.memref_squeeze %get3A_573 : memref<1x128x64xbf16, #tpu.memory_space<vmem>> -> memref<128x64xbf16, #tpu.memory_space<vmem>>
          %get3A_575 = arith.index_cast %scan3A_571 : i32 to index
          %get3A_576 = arith.constant 0 : index
          %get3A_577 = tpu.vector_load %get3A_574[%get3A_575, %get3A_576] {strides = array<i32>} : memref<128x64xbf16, #tpu.memory_space<vmem>>, vector<32xbf16>,
          %bitcast3A = vector.bitcast %get3A_577 : vector<32xbf16> to vector<16xi32>
          %shift_left3A = arith.constant 16 : i32
          %shift_left3A_578 = vector.broadcast %shift_left3A : i32 to vector<16xi32>
          %shift_left3A_579 = arith.shli %bitcast3A, %shift_left3A_578 : vector<16xi32>
          %bitcast3A_580 = vector.bitcast %shift_left3A_579 : vector<16xi32> to vector<16xf32>
          %and3A = arith.andi %bitcast3A, %broadcast_in_dim3A_5 : vector<16xi32>
          %bitcast3A_581 = vector.bitcast %and3A : vector<16xi32> to vector<16xf32>
          %swap3A = arith.constant 0 : i32
          %swap3A_582 = arith.constant 0 : i32
          %swap3A_583 = tpu.memref_slice %arg7[%scan3A_545, %swap3A, %swap3A_582] : memref<2x128x64xf32, #tpu.memory_space<vmem>> -> memref<1x128x64xf32, #tpu.memory_space<vmem>>
          %swap3A_584 = tpu.memref_squeeze %swap3A_583 : memref<1x128x64xf32, #tpu.memory_space<vmem>> -> memref<128x64xf32, #tpu.memory_space<vmem>>
          %swap3A_585 = arith.index_cast %scan3A_571 : i32 to index
          %swap3A_586 = arith.constant 0 : index
          %swap3A_587 = tpu.vector_load %swap3A_584[%swap3A_585, %swap3A_586] {strides = array<i32>} : memref<128x64xf32, #tpu.memory_space<vmem>>, vector<16xf32>,
          tpu.vector_store %swap3A_584[%swap3A_585, %swap3A_586], %bitcast3A_580 {strides = array<i32>} : memref<128x64xf32, #tpu.memory_space<vmem>>, vector<16xf32>,
          %swap3A_588 = arith.constant 0 : i32
          %swap3A_589 = arith.constant 0 : i32
          %swap3A_590 = tpu.memref_slice %arg7[%scan3A_545, %swap3A_588, %swap3A_589] : memref<2x128x64xf32, #tpu.memory_space<vmem>> -> memref<1x128x64xf32, #tpu.memory_space<vmem>>
          %swap3A_591 = tpu.memref_squeeze %swap3A_590 : memref<1x128x64xf32, #tpu.memory_space<vmem>> -> memref<128x64xf32, #tpu.memory_space<vmem>>
          %swap3A_592 = arith.index_cast %scan3A_571 : i32 to index
          %swap3A_593 = arith.constant 16 : index
          %swap3A_594 = tpu.vector_load %swap3A_591[%swap3A_592, %swap3A_593] {strides = array<i32>} : memref<128x64xf32, #tpu.memory_space<vmem>>, vector<16xf32>,
          tpu.vector_store %swap3A_591[%swap3A_592, %swap3A_593], %bitcast3A_581 {strides = array<i32>} : memref<128x64xf32, #tpu.memory_space<vmem>>, vector<16xf32>,
          %get3A_595 = arith.constant 0 : i32
          %get3A_596 = arith.constant 0 : i32
          %get3A_597 = tpu.memref_slice %arg6[%scan3A_544, %get3A_595, %get3A_596] : memref<2x128x64xbf16, #tpu.memory_space<vmem>> -> memref<1x128x64xbf16, #tpu.memory_space<vmem>>
          %get3A_598 = tpu.memref_squeeze %get3A_597 : memref<1x128x64xbf16, #tpu.memory_space<vmem>> -> memref<128x64xbf16, #tpu.memory_space<vmem>>
          %get3A_599 = arith.index_cast %scan3A_571 : i32 to index
          %get3A_600 = arith.constant 32 : index
          %get3A_601 = tpu.vector_load %get3A_598[%get3A_599, %get3A_600] {strides = array<i32>} : memref<128x64xbf16, #tpu.memory_space<vmem>>, vector<32xbf16>,
          %bitcast3A_602 = vector.bitcast %get3A_601 : vector<32xbf16> to vector<16xi32>
          %shift_left3A_603 = arith.constant 16 : i32
          %shift_left3A_604 = vector.broadcast %shift_left3A_603 : i32 to vector<16xi32>
          %shift_left3A_605 = arith.shli %bitcast3A_602, %shift_left3A_604 : vector<16xi32>
          %bitcast3A_606 = vector.bitcast %shift_left3A_605 : vector<16xi32> to vector<16xf32>
          %and3A_607 = arith.andi %bitcast3A_602, %broadcast_in_dim3A_5 : vector<16xi32>
          %bitcast3A_608 = vector.bitcast %and3A_607 : vector<16xi32> to vector<16xf32>
          %swap3A_609 = arith.constant 0 : i32
          %swap3A_610 = arith.constant 0 : i32
          %swap3A_611 = tpu.memref_slice %arg7[%scan3A_545, %swap3A_609, %swap3A_610] : memref<2x128x64xf32, #tpu.memory_space<vmem>> -> memref<1x128x64xf32, #tpu.memory_space<vmem>>
          %swap3A_612 = tpu.memref_squeeze %swap3A_611 : memref<1x128x64xf32, #tpu.memory_space<vmem>> -> memref<128x64xf32, #tpu.memory_space<vmem>>
          %swap3A_613 = arith.index_cast %scan3A_571 : i32 to index
          %swap3A_614 = arith.constant 32 : index
          %swap3A_615 = tpu.vector_load %swap3A_612[%swap3A_613, %swap3A_614] {strides = array<i32>} : memref<128x64xf32, #tpu.memory_space<vmem>>, vector<16xf32>,
          tpu.vector_store %swap3A_612[%swap3A_613, %swap3A_614], %bitcast3A_606 {strides = array<i32>} : memref<128x64xf32, #tpu.memory_space<vmem>>, vector<16xf32>,
          %swap3A_616 = arith.constant 0 : i32
          %swap3A_617 = arith.constant 0 : i32
          %swap3A_618 = tpu.memref_slice %arg7[%scan3A_545, %swap3A_616, %swap3A_617] : memref<2x128x64xf32, #tpu.memory_space<vmem>> -> memref<1x128x64xf32, #tpu.memory_space<vmem>>
          %swap3A_619 = tpu.memref_squeeze %swap3A_618 : memref<1x128x64xf32, #tpu.memory_space<vmem>> -> memref<128x64xf32, #tpu.memory_space<vmem>>
          %swap3A_620 = arith.index_cast %scan3A_571 : i32 to index
          %swap3A_621 = arith.constant 48 : index
          %swap3A_622 = tpu.vector_load %swap3A_619[%swap3A_620, %swap3A_621] {strides = array<i32>} : memref<128x64xf32, #tpu.memory_space<vmem>>, vector<16xf32>,
          tpu.vector_store %swap3A_619[%swap3A_620, %swap3A_621], %bitcast3A_608 {strides = array<i32>} : memref<128x64xf32, #tpu.memory_space<vmem>>, vector<16xf32>,
          %scan3A_623 = arith.constant 1 : i32
          %scan3A_624 = arith.addi %scan3A_571, %scan3A_623 : i32
          %get3A_625 = arith.constant 0 : i32
          %get3A_626 = arith.constant 0 : i32
          %get3A_627 = tpu.memref_slice %arg6[%scan3A_544, %get3A_625, %get3A_626] : memref<2x128x64xbf16, #tpu.memory_space<vmem>> -> memref<1x128x64xbf16, #tpu.memory_space<vmem>>
          %get3A_628 = tpu.memref_squeeze %get3A_627 : memref<1x128x64xbf16, #tpu.memory_space<vmem>> -> memref<128x64xbf16, #tpu.memory_space<vmem>>
          %get3A_629 = arith.index_cast %scan3A_624 : i32 to index
          %get3A_630 = arith.constant 0 : index
          %get3A_631 = tpu.vector_load %get3A_628[%get3A_629, %get3A_630] {strides = array<i32>} : memref<128x64xbf16, #tpu.memory_space<vmem>>, vector<32xbf16>,
          %bitcast3A_632 = vector.bitcast %get3A_631 : vector<32xbf16> to vector<16xi32>
          %shift_left3A_633 = arith.constant 16 : i32
          %shift_left3A_634 = vector.broadcast %shift_left3A_633 : i32 to vector<16xi32>
          %shift_left3A_635 = arith.shli %bitcast3A_632, %shift_left3A_634 : vector<16xi32>
          %bitcast3A_636 = vector.bitcast %shift_left3A_635 : vector<16xi32> to vector<16xf32>
          %and3A_637 = arith.andi %bitcast3A_632, %broadcast_in_dim3A_5 : vector<16xi32>
          %bitcast3A_638 = vector.bitcast %and3A_637 : vector<16xi32> to vector<16xf32>
          %swap3A_639 = arith.constant 0 : i32
          %swap3A_640 = arith.constant 0 : i32
          %swap3A_641 = tpu.memref_slice %arg7[%scan3A_545, %swap3A_639, %swap3A_640] : memref<2x128x64xf32, #tpu.memory_space<vmem>> -> memref<1x128x64xf32, #tpu.memory_space<vmem>>
          %swap3A_642 = tpu.memref_squeeze %swap3A_641 : memref<1x128x64xf32, #tpu.memory_space<vmem>> -> memref<128x64xf32, #tpu.memory_space<vmem>>
          %swap3A_643 = arith.index_cast %scan3A_624 : i32 to index
          %swap3A_644 = arith.constant 0 : index
          %swap3A_645 = tpu.vector_load %swap3A_642[%swap3A_643, %swap3A_644] {strides = array<i32>} : memref<128x64xf32, #tpu.memory_space<vmem>>, vector<16xf32>,
          tpu.vector_store %swap3A_642[%swap3A_643, %swap3A_644], %bitcast3A_636 {strides = array<i32>} : memref<128x64xf32, #tpu.memory_space<vmem>>, vector<16xf32>,
          %swap3A_646 = arith.constant 0 : i32
          %swap3A_647 = arith.constant 0 : i32
          %swap3A_648 = tpu.memref_slice %arg7[%scan3A_545, %swap3A_646, %swap3A_647] : memref<2x128x64xf32, #tpu.memory_space<vmem>> -> memref<1x128x64xf32, #tpu.memory_space<vmem>>
          %swap3A_649 = tpu.memref_squeeze %swap3A_648 : memref<1x128x64xf32, #tpu.memory_space<vmem>> -> memref<128x64xf32, #tpu.memory_space<vmem>>
          %swap3A_650 = arith.index_cast %scan3A_624 : i32 to index
          %swap3A_651 = arith.constant 16 : index
          %swap3A_652 = tpu.vector_load %swap3A_649[%swap3A_650, %swap3A_651] {strides = array<i32>} : memref<128x64xf32, #tpu.memory_space<vmem>>, vector<16xf32>,
          tpu.vector_store %swap3A_649[%swap3A_650, %swap3A_651], %bitcast3A_638 {strides = array<i32>} : memref<128x64xf32, #tpu.memory_space<vmem>>, vector<16xf32>,
          %get3A_653 = arith.constant 0 : i32
          %get3A_654 = arith.constant 0 : i32
          %get3A_655 = tpu.memref_slice %arg6[%scan3A_544, %get3A_653, %get3A_654] : memref<2x128x64xbf16, #tpu.memory_space<vmem>> -> memref<1x128x64xbf16, #tpu.memory_space<vmem>>
          %get3A_656 = tpu.memref_squeeze %get3A_655 : memref<1x128x64xbf16, #tpu.memory_space<vmem>> -> memref<128x64xbf16, #tpu.memory_space<vmem>>
          %get3A_657 = arith.index_cast %scan3A_624 : i32 to index
          %get3A_658 = arith.constant 32 : index
          %get3A_659 = tpu.vector_load %get3A_656[%get3A_657, %get3A_658] {strides = array<i32>} : memref<128x64xbf16, #tpu.memory_space<vmem>>, vector<32xbf16>,
          %bitcast3A_660 = vector.bitcast %get3A_659 : vector<32xbf16> to vector<16xi32>
          %shift_left3A_661 = arith.constant 16 : i32
          %shift_left3A_662 = vector.broadcast %shift_left3A_661 : i32 to vector<16xi32>
          %shift_left3A_663 = arith.shli %bitcast3A_660, %shift_left3A_662 : vector<16xi32>
          %bitcast3A_664 = vector.bitcast %shift_left3A_663 : vector<16xi32> to vector<16xf32>
          %and3A_665 = arith.andi %bitcast3A_660, %broadcast_in_dim3A_5 : vector<16xi32>
          %bitcast3A_666 = vector.bitcast %and3A_665 : vector<16xi32> to vector<16xf32>
          %swap3A_667 = arith.constant 0 : i32
          %swap3A_668 = arith.constant 0 : i32
          %swap3A_669 = tpu.memref_slice %arg7[%scan3A_545, %swap3A_667, %swap3A_668] : memref<2x128x64xf32, #tpu.memory_space<vmem>> -> memref<1x128x64xf32, #tpu.memory_space<vmem>>
          %swap3A_670 = tpu.memref_squeeze %swap3A_669 : memref<1x128x64xf32, #tpu.memory_space<vmem>> -> memref<128x64xf32, #tpu.memory_space<vmem>>
          %swap3A_671 = arith.index_cast %scan3A_624 : i32 to index
          %swap3A_672 = arith.constant 32 : index
          %swap3A_673 = tpu.vector_load %swap3A_670[%swap3A_671, %swap3A_672] {strides = array<i32>} : memref<128x64xf32, #tpu.memory_space<vmem>>, vector<16xf32>,
          tpu.vector_store %swap3A_670[%swap3A_671, %swap3A_672], %bitcast3A_664 {strides = array<i32>} : memref<128x64xf32, #tpu.memory_space<vmem>>, vector<16xf32>,
          %swap3A_674 = arith.constant 0 : i32
          %swap3A_675 = arith.constant 0 : i32
          %swap3A_676 = tpu.memref_slice %arg7[%scan3A_545, %swap3A_674, %swap3A_675] : memref<2x128x64xf32, #tpu.memory_space<vmem>> -> memref<1x128x64xf32, #tpu.memory_space<vmem>>
          %swap3A_677 = tpu.memref_squeeze %swap3A_676 : memref<1x128x64xf32, #tpu.memory_space<vmem>> -> memref<128x64xf32, #tpu.memory_space<vmem>>
          %swap3A_678 = arith.index_cast %scan3A_624 : i32 to index
          %swap3A_679 = arith.constant 48 : index
          %swap3A_680 = tpu.vector_load %swap3A_677[%swap3A_678, %swap3A_679] {strides = array<i32>} : memref<128x64xf32, #tpu.memory_space<vmem>>, vector<16xf32>,
          tpu.vector_store %swap3A_677[%swap3A_678, %swap3A_679], %bitcast3A_666 {strides = array<i32>} : memref<128x64xf32, #tpu.memory_space<vmem>>, vector<16xf32>,
        }
        %scan3A_550 = arith.constant 128 : i32
        %sub3A = arith.constant 1 : i32
        %sub3A_551 = arith.subi %add3A_171, %sub3A : i32
        %mul3A_552 = arith.constant 6400 : i32
        %mul3A_553 = arith.muli %add3A, %mul3A_552 : i32
        %mul3A_554 = arith.constant 128 : i32
        %mul3A_555 = arith.muli %sub3A_551, %mul3A_554 : i32
        %add3A_556 = arith.addi %mul3A_553, %mul3A_555 : i32
        %multiple_of3A_557 = tpu.assume_multiple %add3A_556, 128 : i32
        %dma_start3A_558 = arith.constant 1 : i32
        %dma_start3A_559 = arith.constant 0 : i32
        %dma_start3A_560 = arith.constant 0 : i32
        %dma_start3A_561 = tpu.memref_slice %arg7[%dma_start3A_558, %dma_start3A_559, %dma_start3A_560] : memref<2x128x64xf32, #tpu.memory_space<vmem>> -> memref<1x128x64xf32, #tpu.memory_space<vmem>>
        %dma_start3A_562 = tpu.memref_squeeze %dma_start3A_561 : memref<1x128x64xf32, #tpu.memory_space<vmem>> -> memref<128x64xf32, #tpu.memory_space<vmem>>
        %dma_start3A_563 = arith.constant 0 : i32
        %dma_start3A_564 = tpu.memref_slice %arg4[%multiple_of3A_557, %dma_start3A_563] : memref<204800x64xf32, #tpu.memory_space<hbm>> -> memref<128x64xf32, #tpu.memory_space<hbm>>
        %dma_start3A_565 = arith.constant 0 : i32
        %dma_start3A_566 = tpu.memref_slice %arg4[%multiple_of3A_557, %dma_start3A_565] : memref<204800x64xf32, #tpu.memory_space<hbm>> -> memref<128x64xf32, #tpu.memory_space<hbm>>
        %dma_start3A_567 = arith.constant 0 : i32
        %dma_start3A_568 = arith.constant 0 : i32
        %dma_start3A_569 = tpu.memref_slice %arg7[%dma_start3A_558, %dma_start3A_567, %dma_start3A_568] : memref<2x128x64xf32, #tpu.memory_space<vmem>> -> memref<1x128x64xf32, #tpu.memory_space<vmem>>
        %dma_start3A_570 = tpu.memref_squeeze %dma_start3A_569 : memref<1x128x64xf32, #tpu.memory_space<vmem>> -> memref<128x64xf32, #tpu.memory_space<vmem>>
        tpu.enqueue_dma source(%dma_start3A_570 : memref<128x64xf32, #tpu.memory_space<vmem>>) target(%dma_start3A_566 : memref<128x64xf32, #tpu.memory_space<hbm>>) target_semaphore(%arg12 : memref<!tpu.dma_semaphore, #tpu.memory_space<semaphore_mem>>)
      } else {
      }
      %mul3A_306 = arith.constant 2 : i32
      %mul3A_307 = arith.muli %scan3A_167, %mul3A_306 : i32
      %add3A_308 = arith.constant 1 : i32
      %add3A_309 = arith.addi %mul3A_307, %add3A_308 : i32
      %ge3A_310 = arith.constant 2 : i32
      %ge3A_311 = arith.cmpi sge, %add3A_309, %ge3A_310 : i32
      %convert_element_type3A_312 = arith.extui %ge3A_311 : i1 to i32
      %cond3A_313 = arith.constant 0 : i32
      %cond3A_314 = arith.cmpi ne, %convert_element_type3A_312, %cond3A_313 : i32
      scf.if %cond3A_314 {
        %sub3A = arith.constant 2 : i32
        %sub3A_447 = arith.subi %add3A_309, %sub3A : i32
        %mul3A_448 = arith.constant 6400 : i32
        %mul3A_449 = arith.muli %add3A, %mul3A_448 : i32
        %mul3A_450 = arith.constant 128 : i32
        %mul3A_451 = arith.muli %sub3A_447, %mul3A_450 : i32
        %add3A_452 = arith.addi %mul3A_449, %mul3A_451 : i32
        %multiple_of3A_453 = tpu.assume_multiple %add3A_452, 128 : i32
        %dma_wait3A_454 = arith.constant 1 : i32
        %dma_wait3A_455 = arith.constant 0 : i32
        %dma_wait3A_456 = arith.constant 0 : i32
        %dma_wait3A_457 = tpu.memref_slice %arg7[%dma_wait3A_454, %dma_wait3A_455, %dma_wait3A_456] : memref<2x128x64xf32, #tpu.memory_space<vmem>> -> memref<1x128x64xf32, #tpu.memory_space<vmem>>
        %dma_wait3A_458 = tpu.memref_squeeze %dma_wait3A_457 : memref<1x128x64xf32, #tpu.memory_space<vmem>> -> memref<128x64xf32, #tpu.memory_space<vmem>>
        %dma_wait3A_459 = arith.constant 0 : i32
        %dma_wait3A_460 = tpu.memref_slice %arg4[%multiple_of3A_453, %dma_wait3A_459] : memref<204800x64xf32, #tpu.memory_space<hbm>> -> memref<128x64xf32, #tpu.memory_space<hbm>>
        %dma_wait3A_461 = arith.constant 0 : i32
        %dma_wait3A_462 = tpu.memref_slice %arg4[%multiple_of3A_453, %dma_wait3A_461] : memref<204800x64xf32, #tpu.memory_space<hbm>> -> memref<128x64xf32, #tpu.memory_space<hbm>>
        %dma_wait3A_463 = arith.constant 0 : i32
        %dma_wait3A_464 = arith.constant 0 : i32
        %dma_wait3A_465 = tpu.memref_slice %arg7[%dma_wait3A_454, %dma_wait3A_463, %dma_wait3A_464] : memref<2x128x64xf32, #tpu.memory_space<vmem>> -> memref<1x128x64xf32, #tpu.memory_space<vmem>>
        %dma_wait3A_466 = tpu.memref_squeeze %dma_wait3A_465 : memref<1x128x64xf32, #tpu.memory_space<vmem>> -> memref<128x64xf32, #tpu.memory_space<vmem>>
        tpu.wait_dma2 semaphore(%arg12 : memref<!tpu.dma_semaphore, #tpu.memory_space<semaphore_mem>>) src(%dma_wait3A_466 : memref<128x64xf32, #tpu.memory_space<vmem>>) dst(%dma_wait3A_462 : memref<128x64xf32, #tpu.memory_space<hbm>>)
      } else {
      }
      %scan3A_315 = arith.constant 0 : i32
      %scan3A_316 = arith.constant 1 : i32
      %scan3A_317 = arith.constant 0 : i32
      %scan3A_318 = arith.constant 128 : i32
      %scan3A_319 = arith.addi %scan3A_317, %scan3A_318 : i32
      %scan3A_320 = arith.constant 4 : i32
      scf.for %scan3A_447 = %scan3A_317 to %scan3A_319 step %scan3A_320  : i32 {
        %swap3A = arith.constant 0 : i32
        %swap3A_448 = arith.constant 0 : i32
        %swap3A_449 = tpu.memref_slice %arg6[%scan3A_316, %swap3A, %swap3A_448] : memref<2x128x64xbf16, #tpu.memory_space<vmem>> -> memref<1x128x64xbf16, #tpu.memory_space<vmem>>
        %swap3A_450 = tpu.memref_squeeze %swap3A_449 : memref<1x128x64xbf16, #tpu.memory_space<vmem>> -> memref<128x64xbf16, #tpu.memory_space<vmem>>
        %swap3A_451 = arith.index_cast %scan3A_447 : i32 to index
        %swap3A_452 = arith.constant 0 : index
        %swap3A_453 = tpu.vector_load %swap3A_450[%swap3A_451, %swap3A_452] {strides = array<i32>} : memref<128x64xbf16, #tpu.memory_space<vmem>>, vector<32xbf16>,
        tpu.vector_store %swap3A_450[%swap3A_451, %swap3A_452], %broadcast_in_dim3A_3 {strides = array<i32>} : memref<128x64xbf16, #tpu.memory_space<vmem>>, vector<32xbf16>,
        %swap3A_454 = arith.constant 0 : i32
        %swap3A_455 = arith.constant 0 : i32
        %swap3A_456 = tpu.memref_slice %arg6[%scan3A_316, %swap3A_454, %swap3A_455] : memref<2x128x64xbf16, #tpu.memory_space<vmem>> -> memref<1x128x64xbf16, #tpu.memory_space<vmem>>
        %swap3A_457 = tpu.memref_squeeze %swap3A_456 : memref<1x128x64xbf16, #tpu.memory_space<vmem>> -> memref<128x64xbf16, #tpu.memory_space<vmem>>
        %swap3A_458 = arith.index_cast %scan3A_447 : i32 to index
        %swap3A_459 = arith.constant 32 : index
        %swap3A_460 = tpu.vector_load %swap3A_457[%swap3A_458, %swap3A_459] {strides = array<i32>} : memref<128x64xbf16, #tpu.memory_space<vmem>>, vector<32xbf16>,
        tpu.vector_store %swap3A_457[%swap3A_458, %swap3A_459], %broadcast_in_dim3A_3 {strides = array<i32>} : memref<128x64xbf16, #tpu.memory_space<vmem>>, vector<32xbf16>,
        %scan3A_461 = arith.constant 1 : i32
        %scan3A_462 = arith.addi %scan3A_447, %scan3A_461 : i32
        %swap3A_463 = arith.constant 0 : i32
        %swap3A_464 = arith.constant 0 : i32
        %swap3A_465 = tpu.memref_slice %arg6[%scan3A_316, %swap3A_463, %swap3A_464] : memref<2x128x64xbf16, #tpu.memory_space<vmem>> -> memref<1x128x64xbf16, #tpu.memory_space<vmem>>
        %swap3A_466 = tpu.memref_squeeze %swap3A_465 : memref<1x128x64xbf16, #tpu.memory_space<vmem>> -> memref<128x64xbf16, #tpu.memory_space<vmem>>
        %swap3A_467 = arith.index_cast %scan3A_462 : i32 to index
        %swap3A_468 = arith.constant 0 : index
        %swap3A_469 = tpu.vector_load %swap3A_466[%swap3A_467, %swap3A_468] {strides = array<i32>} : memref<128x64xbf16, #tpu.memory_space<vmem>>, vector<32xbf16>,
        tpu.vector_store %swap3A_466[%swap3A_467, %swap3A_468], %broadcast_in_dim3A_3 {strides = array<i32>} : memref<128x64xbf16, #tpu.memory_space<vmem>>, vector<32xbf16>,
        %swap3A_470 = arith.constant 0 : i32
        %swap3A_471 = arith.constant 0 : i32
        %swap3A_472 = tpu.memref_slice %arg6[%scan3A_316, %swap3A_470, %swap3A_471] : memref<2x128x64xbf16, #tpu.memory_space<vmem>> -> memref<1x128x64xbf16, #tpu.memory_space<vmem>>
        %swap3A_473 = tpu.memref_squeeze %swap3A_472 : memref<1x128x64xbf16, #tpu.memory_space<vmem>> -> memref<128x64xbf16, #tpu.memory_space<vmem>>
        %swap3A_474 = arith.index_cast %scan3A_462 : i32 to index
        %swap3A_475 = arith.constant 32 : index
        %swap3A_476 = tpu.vector_load %swap3A_473[%swap3A_474, %swap3A_475] {strides = array<i32>} : memref<128x64xbf16, #tpu.memory_space<vmem>>, vector<32xbf16>,
        tpu.vector_store %swap3A_473[%swap3A_474, %swap3A_475], %broadcast_in_dim3A_3 {strides = array<i32>} : memref<128x64xbf16, #tpu.memory_space<vmem>>, vector<32xbf16>,
        %scan3A_477 = arith.constant 2 : i32
        %scan3A_478 = arith.addi %scan3A_447, %scan3A_477 : i32
        %swap3A_479 = arith.constant 0 : i32
        %swap3A_480 = arith.constant 0 : i32
        %swap3A_481 = tpu.memref_slice %arg6[%scan3A_316, %swap3A_479, %swap3A_480] : memref<2x128x64xbf16, #tpu.memory_space<vmem>> -> memref<1x128x64xbf16, #tpu.memory_space<vmem>>
        %swap3A_482 = tpu.memref_squeeze %swap3A_481 : memref<1x128x64xbf16, #tpu.memory_space<vmem>> -> memref<128x64xbf16, #tpu.memory_space<vmem>>
        %swap3A_483 = arith.index_cast %scan3A_478 : i32 to index
        %swap3A_484 = arith.constant 0 : index
        %swap3A_485 = tpu.vector_load %swap3A_482[%swap3A_483, %swap3A_484] {strides = array<i32>} : memref<128x64xbf16, #tpu.memory_space<vmem>>, vector<32xbf16>,
        tpu.vector_store %swap3A_482[%swap3A_483, %swap3A_484], %broadcast_in_dim3A_3 {strides = array<i32>} : memref<128x64xbf16, #tpu.memory_space<vmem>>, vector<32xbf16>,
        %swap3A_486 = arith.constant 0 : i32
        %swap3A_487 = arith.constant 0 : i32
        %swap3A_488 = tpu.memref_slice %arg6[%scan3A_316, %swap3A_486, %swap3A_487] : memref<2x128x64xbf16, #tpu.memory_space<vmem>> -> memref<1x128x64xbf16, #tpu.memory_space<vmem>>
        %swap3A_489 = tpu.memref_squeeze %swap3A_488 : memref<1x128x64xbf16, #tpu.memory_space<vmem>> -> memref<128x64xbf16, #tpu.memory_space<vmem>>
        %swap3A_490 = arith.index_cast %scan3A_478 : i32 to index
        %swap3A_491 = arith.constant 32 : index
        %swap3A_492 = tpu.vector_load %swap3A_489[%swap3A_490, %swap3A_491] {strides = array<i32>} : memref<128x64xbf16, #tpu.memory_space<vmem>>, vector<32xbf16>,
        tpu.vector_store %swap3A_489[%swap3A_490, %swap3A_491], %broadcast_in_dim3A_3 {strides = array<i32>} : memref<128x64xbf16, #tpu.memory_space<vmem>>, vector<32xbf16>,
        %scan3A_493 = arith.constant 3 : i32
        %scan3A_494 = arith.addi %scan3A_447, %scan3A_493 : i32
        %swap3A_495 = arith.constant 0 : i32
        %swap3A_496 = arith.constant 0 : i32
        %swap3A_497 = tpu.memref_slice %arg6[%scan3A_316, %swap3A_495, %swap3A_496] : memref<2x128x64xbf16, #tpu.memory_space<vmem>> -> memref<1x128x64xbf16, #tpu.memory_space<vmem>>
        %swap3A_498 = tpu.memref_squeeze %swap3A_497 : memref<1x128x64xbf16, #tpu.memory_space<vmem>> -> memref<128x64xbf16, #tpu.memory_space<vmem>>
        %swap3A_499 = arith.index_cast %scan3A_494 : i32 to index
        %swap3A_500 = arith.constant 0 : index
        %swap3A_501 = tpu.vector_load %swap3A_498[%swap3A_499, %swap3A_500] {strides = array<i32>} : memref<128x64xbf16, #tpu.memory_space<vmem>>, vector<32xbf16>,
        tpu.vector_store %swap3A_498[%swap3A_499, %swap3A_500], %broadcast_in_dim3A_3 {strides = array<i32>} : memref<128x64xbf16, #tpu.memory_space<vmem>>, vector<32xbf16>,
        %swap3A_502 = arith.constant 0 : i32
        %swap3A_503 = arith.constant 0 : i32
        %swap3A_504 = tpu.memref_slice %arg6[%scan3A_316, %swap3A_502, %swap3A_503] : memref<2x128x64xbf16, #tpu.memory_space<vmem>> -> memref<1x128x64xbf16, #tpu.memory_space<vmem>>
        %swap3A_505 = tpu.memref_squeeze %swap3A_504 : memref<1x128x64xbf16, #tpu.memory_space<vmem>> -> memref<128x64xbf16, #tpu.memory_space<vmem>>
        %swap3A_506 = arith.index_cast %scan3A_494 : i32 to index
        %swap3A_507 = arith.constant 32 : index
        %swap3A_508 = tpu.vector_load %swap3A_505[%swap3A_506, %swap3A_507] {strides = array<i32>} : memref<128x64xbf16, #tpu.memory_space<vmem>>, vector<32xbf16>,
        tpu.vector_store %swap3A_505[%swap3A_506, %swap3A_507], %broadcast_in_dim3A_3 {strides = array<i32>} : memref<128x64xbf16, #tpu.memory_space<vmem>>, vector<32xbf16>,
      }
      %scan3A_321 = arith.constant 128 : i32
      %mul3A_322 = arith.constant 8 : i32
      %mul3A_323 = arith.muli %add3A_309, %mul3A_322 : i32
      %add3A_324 = arith.constant 0 : i32
      %add3A_325 = arith.addi %mul3A_323, %add3A_324 : i32
      %dma_start3A_326 = arith.constant 1 : i32
      %dma_start3A_327 = arith.constant 0 : i32
      %dma_start3A_328 = arith.constant 0 : i32
      %dma_start3A_329 = tpu.memref_slice %arg6[%dma_start3A_326, %dma_start3A_327, %dma_start3A_328] : memref<2x128x64xbf16, #tpu.memory_space<vmem>> -> memref<1x128x64xbf16, #tpu.memory_space<vmem>>
      %dma_start3A_330 = tpu.memref_squeeze %dma_start3A_329 : memref<1x128x64xbf16, #tpu.memory_space<vmem>> -> memref<128x64xbf16, #tpu.memory_space<vmem>>
      %dma_start3A_331 = arith.constant 0 : i32
      %dma_start3A_332 = tpu.memref_slice %arg5[%add3A_325, %dma_start3A_331] : memref<400x128xi32, #tpu.memory_space<vmem>> -> memref<1x128xi32, #tpu.memory_space<vmem>>
      %dma_start3A_333 = tpu.memref_squeeze %dma_start3A_332 : memref<1x128xi32, #tpu.memory_space<vmem>> -> memref<128xi32, #tpu.memory_space<vmem>>
      %dma_start3A_334 = arith.constant 0 : i32
      %dma_start3A_335 = arith.constant 0 : i32
      %dma_start3A_336 = tpu.memref_slice %arg3[%dma_start3A_334, %dma_start3A_335] : memref<100000x64xbf16, #tpu.memory_space<hbm>> -> memref<100000x64xbf16, #tpu.memory_space<hbm>>
      tpu.enqueue_indirect_dma source(%dma_start3A_336 : memref<100000x64xbf16, #tpu.memory_space<hbm>>) target(%dma_start3A_330 : memref<128x64xbf16, #tpu.memory_space<vmem>>) offsets(%dma_start3A_333 : memref<128xi32, #tpu.memory_space<vmem>>) semaphore(%arg10 : memref<!tpu.dma_semaphore, #tpu.memory_space<semaphore_mem>>) {add = true}
      %mul3A_337 = arith.constant 8 : i32
      %mul3A_338 = arith.muli %add3A_309, %mul3A_337 : i32
      %add3A_339 = arith.constant 1 : i32
      %add3A_340 = arith.addi %mul3A_338, %add3A_339 : i32
      %dma_start3A_341 = arith.constant 1 : i32
      %dma_start3A_342 = arith.constant 0 : i32
      %dma_start3A_343 = arith.constant 0 : i32
      %dma_start3A_344 = tpu.memref_slice %arg6[%dma_start3A_341, %dma_start3A_342, %dma_start3A_343] : memref<2x128x64xbf16, #tpu.memory_space<vmem>> -> memref<1x128x64xbf16, #tpu.memory_space<vmem>>
      %dma_start3A_345 = tpu.memref_squeeze %dma_start3A_344 : memref<1x128x64xbf16, #tpu.memory_space<vmem>> -> memref<128x64xbf16, #tpu.memory_space<vmem>>
      %dma_start3A_346 = arith.constant 0 : i32
      %dma_start3A_347 = tpu.memref_slice %arg5[%add3A_340, %dma_start3A_346] : memref<400x128xi32, #tpu.memory_space<vmem>> -> memref<1x128xi32, #tpu.memory_space<vmem>>
      %dma_start3A_348 = tpu.memref_squeeze %dma_start3A_347 : memref<1x128xi32, #tpu.memory_space<vmem>> -> memref<128xi32, #tpu.memory_space<vmem>>
      %dma_start3A_349 = arith.constant 0 : i32
      %dma_start3A_350 = arith.constant 0 : i32
      %dma_start3A_351 = tpu.memref_slice %arg3[%dma_start3A_349, %dma_start3A_350] : memref<100000x64xbf16, #tpu.memory_space<hbm>> -> memref<100000x64xbf16, #tpu.memory_space<hbm>>
      tpu.enqueue_indirect_dma source(%dma_start3A_351 : memref<100000x64xbf16, #tpu.memory_space<hbm>>) target(%dma_start3A_345 : memref<128x64xbf16, #tpu.memory_space<vmem>>) offsets(%dma_start3A_348 : memref<128xi32, #tpu.memory_space<vmem>>) semaphore(%arg10 : memref<!tpu.dma_semaphore, #tpu.memory_space<semaphore_mem>>) {add = true}
      %mul3A_352 = arith.constant 8 : i32
      %mul3A_353 = arith.muli %add3A_309, %mul3A_352 : i32
      %add3A_354 = arith.constant 2 : i32
      %add3A_355 = arith.addi %mul3A_353, %add3A_354 : i32
      %dma_start3A_356 = arith.constant 1 : i32
      %dma_start3A_357 = arith.constant 0 : i32
      %dma_start3A_358 = arith.constant 0 : i32
      %dma_start3A_359 = tpu.memref_slice %arg6[%dma_start3A_356, %dma_start3A_357, %dma_start3A_358] : memref<2x128x64xbf16, #tpu.memory_space<vmem>> -> memref<1x128x64xbf16, #tpu.memory_space<vmem>>
      %dma_start3A_360 = tpu.memref_squeeze %dma_start3A_359 : memref<1x128x64xbf16, #tpu.memory_space<vmem>> -> memref<128x64xbf16, #tpu.memory_space<vmem>>
      %dma_start3A_361 = arith.constant 0 : i32
      %dma_start3A_362 = tpu.memref_slice %arg5[%add3A_355, %dma_start3A_361] : memref<400x128xi32, #tpu.memory_space<vmem>> -> memref<1x128xi32, #tpu.memory_space<vmem>>
      %dma_start3A_363 = tpu.memref_squeeze %dma_start3A_362 : memref<1x128xi32, #tpu.memory_space<vmem>> -> memref<128xi32, #tpu.memory_space<vmem>>
      %dma_start3A_364 = arith.constant 0 : i32
      %dma_start3A_365 = arith.constant 0 : i32
      %dma_start3A_366 = tpu.memref_slice %arg3[%dma_start3A_364, %dma_start3A_365] : memref<100000x64xbf16, #tpu.memory_space<hbm>> -> memref<100000x64xbf16, #tpu.memory_space<hbm>>
      tpu.enqueue_indirect_dma source(%dma_start3A_366 : memref<100000x64xbf16, #tpu.memory_space<hbm>>) target(%dma_start3A_360 : memref<128x64xbf16, #tpu.memory_space<vmem>>) offsets(%dma_start3A_363 : memref<128xi32, #tpu.memory_space<vmem>>) semaphore(%arg10 : memref<!tpu.dma_semaphore, #tpu.memory_space<semaphore_mem>>) {add = true}
      %mul3A_367 = arith.constant 8 : i32
      %mul3A_368 = arith.muli %add3A_309, %mul3A_367 : i32
      %add3A_369 = arith.constant 3 : i32
      %add3A_370 = arith.addi %mul3A_368, %add3A_369 : i32
      %dma_start3A_371 = arith.constant 1 : i32
      %dma_start3A_372 = arith.constant 0 : i32
      %dma_start3A_373 = arith.constant 0 : i32
      %dma_start3A_374 = tpu.memref_slice %arg6[%dma_start3A_371, %dma_start3A_372, %dma_start3A_373] : memref<2x128x64xbf16, #tpu.memory_space<vmem>> -> memref<1x128x64xbf16, #tpu.memory_space<vmem>>
      %dma_start3A_375 = tpu.memref_squeeze %dma_start3A_374 : memref<1x128x64xbf16, #tpu.memory_space<vmem>> -> memref<128x64xbf16, #tpu.memory_space<vmem>>
      %dma_start3A_376 = arith.constant 0 : i32
      %dma_start3A_377 = tpu.memref_slice %arg5[%add3A_370, %dma_start3A_376] : memref<400x128xi32, #tpu.memory_space<vmem>> -> memref<1x128xi32, #tpu.memory_space<vmem>>
      %dma_start3A_378 = tpu.memref_squeeze %dma_start3A_377 : memref<1x128xi32, #tpu.memory_space<vmem>> -> memref<128xi32, #tpu.memory_space<vmem>>
      %dma_start3A_379 = arith.constant 0 : i32
      %dma_start3A_380 = arith.constant 0 : i32
      %dma_start3A_381 = tpu.memref_slice %arg3[%dma_start3A_379, %dma_start3A_380] : memref<100000x64xbf16, #tpu.memory_space<hbm>> -> memref<100000x64xbf16, #tpu.memory_space<hbm>>
      tpu.enqueue_indirect_dma source(%dma_start3A_381 : memref<100000x64xbf16, #tpu.memory_space<hbm>>) target(%dma_start3A_375 : memref<128x64xbf16, #tpu.memory_space<vmem>>) offsets(%dma_start3A_378 : memref<128xi32, #tpu.memory_space<vmem>>) semaphore(%arg10 : memref<!tpu.dma_semaphore, #tpu.memory_space<semaphore_mem>>) {add = true}
      %mul3A_382 = arith.constant 8 : i32
      %mul3A_383 = arith.muli %add3A_309, %mul3A_382 : i32
      %add3A_384 = arith.constant 4 : i32
      %add3A_385 = arith.addi %mul3A_383, %add3A_384 : i32
      %dma_start3A_386 = arith.constant 1 : i32
      %dma_start3A_387 = arith.constant 0 : i32
      %dma_start3A_388 = arith.constant 0 : i32
      %dma_start3A_389 = tpu.memref_slice %arg6[%dma_start3A_386, %dma_start3A_387, %dma_start3A_388] : memref<2x128x64xbf16, #tpu.memory_space<vmem>> -> memref<1x128x64xbf16, #tpu.memory_space<vmem>>
      %dma_start3A_390 = tpu.memref_squeeze %dma_start3A_389 : memref<1x128x64xbf16, #tpu.memory_space<vmem>> -> memref<128x64xbf16, #tpu.memory_space<vmem>>
      %dma_start3A_391 = arith.constant 0 : i32
      %dma_start3A_392 = tpu.memref_slice %arg5[%add3A_385, %dma_start3A_391] : memref<400x128xi32, #tpu.memory_space<vmem>> -> memref<1x128xi32, #tpu.memory_space<vmem>>
      %dma_start3A_393 = tpu.memref_squeeze %dma_start3A_392 : memref<1x128xi32, #tpu.memory_space<vmem>> -> memref<128xi32, #tpu.memory_space<vmem>>
      %dma_start3A_394 = arith.constant 0 : i32
      %dma_start3A_395 = arith.constant 0 : i32
      %dma_start3A_396 = tpu.memref_slice %arg3[%dma_start3A_394, %dma_start3A_395] : memref<100000x64xbf16, #tpu.memory_space<hbm>> -> memref<100000x64xbf16, #tpu.memory_space<hbm>>
      tpu.enqueue_indirect_dma source(%dma_start3A_396 : memref<100000x64xbf16, #tpu.memory_space<hbm>>) target(%dma_start3A_390 : memref<128x64xbf16, #tpu.memory_space<vmem>>) offsets(%dma_start3A_393 : memref<128xi32, #tpu.memory_space<vmem>>) semaphore(%arg10 : memref<!tpu.dma_semaphore, #tpu.memory_space<semaphore_mem>>) {add = true}
      %mul3A_397 = arith.constant 8 : i32
      %mul3A_398 = arith.muli %add3A_309, %mul3A_397 : i32
      %add3A_399 = arith.constant 5 : i32
      %add3A_400 = arith.addi %mul3A_398, %add3A_399 : i32
      %dma_start3A_401 = arith.constant 1 : i32
      %dma_start3A_402 = arith.constant 0 : i32
      %dma_start3A_403 = arith.constant 0 : i32
      %dma_start3A_404 = tpu.memref_slice %arg6[%dma_start3A_401, %dma_start3A_402, %dma_start3A_403] : memref<2x128x64xbf16, #tpu.memory_space<vmem>> -> memref<1x128x64xbf16, #tpu.memory_space<vmem>>
      %dma_start3A_405 = tpu.memref_squeeze %dma_start3A_404 : memref<1x128x64xbf16, #tpu.memory_space<vmem>> -> memref<128x64xbf16, #tpu.memory_space<vmem>>
      %dma_start3A_406 = arith.constant 0 : i32
      %dma_start3A_407 = tpu.memref_slice %arg5[%add3A_400, %dma_start3A_406] : memref<400x128xi32, #tpu.memory_space<vmem>> -> memref<1x128xi32, #tpu.memory_space<vmem>>
      %dma_start3A_408 = tpu.memref_squeeze %dma_start3A_407 : memref<1x128xi32, #tpu.memory_space<vmem>> -> memref<128xi32, #tpu.memory_space<vmem>>
      %dma_start3A_409 = arith.constant 0 : i32
      %dma_start3A_410 = arith.constant 0 : i32
      %dma_start3A_411 = tpu.memref_slice %arg3[%dma_start3A_409, %dma_start3A_410] : memref<100000x64xbf16, #tpu.memory_space<hbm>> -> memref<100000x64xbf16, #tpu.memory_space<hbm>>
      tpu.enqueue_indirect_dma source(%dma_start3A_411 : memref<100000x64xbf16, #tpu.memory_space<hbm>>) target(%dma_start3A_405 : memref<128x64xbf16, #tpu.memory_space<vmem>>) offsets(%dma_start3A_408 : memref<128xi32, #tpu.memory_space<vmem>>) semaphore(%arg10 : memref<!tpu.dma_semaphore, #tpu.memory_space<semaphore_mem>>) {add = true}
      %mul3A_412 = arith.constant 8 : i32
      %mul3A_413 = arith.muli %add3A_309, %mul3A_412 : i32
      %add3A_414 = arith.constant 6 : i32
      %add3A_415 = arith.addi %mul3A_413, %add3A_414 : i32
      %dma_start3A_416 = arith.constant 1 : i32
      %dma_start3A_417 = arith.constant 0 : i32
      %dma_start3A_418 = arith.constant 0 : i32
      %dma_start3A_419 = tpu.memref_slice %arg6[%dma_start3A_416, %dma_start3A_417, %dma_start3A_418] : memref<2x128x64xbf16, #tpu.memory_space<vmem>> -> memref<1x128x64xbf16, #tpu.memory_space<vmem>>
      %dma_start3A_420 = tpu.memref_squeeze %dma_start3A_419 : memref<1x128x64xbf16, #tpu.memory_space<vmem>> -> memref<128x64xbf16, #tpu.memory_space<vmem>>
      %dma_start3A_421 = arith.constant 0 : i32
      %dma_start3A_422 = tpu.memref_slice %arg5[%add3A_415, %dma_start3A_421] : memref<400x128xi32, #tpu.memory_space<vmem>> -> memref<1x128xi32, #tpu.memory_space<vmem>>
      %dma_start3A_423 = tpu.memref_squeeze %dma_start3A_422 : memref<1x128xi32, #tpu.memory_space<vmem>> -> memref<128xi32, #tpu.memory_space<vmem>>
      %dma_start3A_424 = arith.constant 0 : i32
      %dma_start3A_425 = arith.constant 0 : i32
      %dma_start3A_426 = tpu.memref_slice %arg3[%dma_start3A_424, %dma_start3A_425] : memref<100000x64xbf16, #tpu.memory_space<hbm>> -> memref<100000x64xbf16, #tpu.memory_space<hbm>>
      tpu.enqueue_indirect_dma source(%dma_start3A_426 : memref<100000x64xbf16, #tpu.memory_space<hbm>>) target(%dma_start3A_420 : memref<128x64xbf16, #tpu.memory_space<vmem>>) offsets(%dma_start3A_423 : memref<128xi32, #tpu.memory_space<vmem>>) semaphore(%arg10 : memref<!tpu.dma_semaphore, #tpu.memory_space<semaphore_mem>>) {add = true}
      %mul3A_427 = arith.constant 8 : i32
      %mul3A_428 = arith.muli %add3A_309, %mul3A_427 : i32
      %add3A_429 = arith.constant 7 : i32
      %add3A_430 = arith.addi %mul3A_428, %add3A_429 : i32
      %dma_start3A_431 = arith.constant 1 : i32
      %dma_start3A_432 = arith.constant 0 : i32
      %dma_start3A_433 = arith.constant 0 : i32
      %dma_start3A_434 = tpu.memref_slice %arg6[%dma_start3A_431, %dma_start3A_432, %dma_start3A_433] : memref<2x128x64xbf16, #tpu.memory_space<vmem>> -> memref<1x128x64xbf16, #tpu.memory_space<vmem>>
      %dma_start3A_435 = tpu.memref_squeeze %dma_start3A_434 : memref<1x128x64xbf16, #tpu.memory_space<vmem>> -> memref<128x64xbf16, #tpu.memory_space<vmem>>
      %dma_start3A_436 = arith.constant 0 : i32
      %dma_start3A_437 = tpu.memref_slice %arg5[%add3A_430, %dma_start3A_436] : memref<400x128xi32, #tpu.memory_space<vmem>> -> memref<1x128xi32, #tpu.memory_space<vmem>>
      %dma_start3A_438 = tpu.memref_squeeze %dma_start3A_437 : memref<1x128xi32, #tpu.memory_space<vmem>> -> memref<128xi32, #tpu.memory_space<vmem>>
      %dma_start3A_439 = arith.constant 0 : i32
      %dma_start3A_440 = arith.constant 0 : i32
      %dma_start3A_441 = tpu.memref_slice %arg3[%dma_start3A_439, %dma_start3A_440] : memref<100000x64xbf16, #tpu.memory_space<hbm>> -> memref<100000x64xbf16, #tpu.memory_space<hbm>>
      tpu.enqueue_indirect_dma source(%dma_start3A_441 : memref<100000x64xbf16, #tpu.memory_space<hbm>>) target(%dma_start3A_435 : memref<128x64xbf16, #tpu.memory_space<vmem>>) offsets(%dma_start3A_438 : memref<128xi32, #tpu.memory_space<vmem>>) semaphore(%arg10 : memref<!tpu.dma_semaphore, #tpu.memory_space<semaphore_mem>>) {add = true}
      %ge3A_442 = arith.constant 1 : i32
      %ge3A_443 = arith.cmpi sge, %add3A_309, %ge3A_442 : i32
      %convert_element_type3A_444 = arith.extui %ge3A_443 : i1 to i32
      %cond3A_445 = arith.constant 0 : i32
      %cond3A_446 = arith.cmpi ne, %convert_element_type3A_444, %cond3A_445 : i32
      scf.if %cond3A_446 {
        %dma_wait3A_447 = arith.constant 0 : i32
        %dma_wait3A_448 = arith.constant 0 : i32
        %dma_wait3A_449 = arith.constant 0 : i32
        %dma_wait3A_450 = arith.constant 0 : i32
        %dma_wait3A_451 = tpu.memref_slice %arg6[%dma_wait3A_448, %dma_wait3A_449, %dma_wait3A_450] : memref<2x128x64xbf16, #tpu.memory_space<vmem>> -> memref<1x128x64xbf16, #tpu.memory_space<vmem>>
        %dma_wait3A_452 = tpu.memref_squeeze %dma_wait3A_451 : memref<1x128x64xbf16, #tpu.memory_space<vmem>> -> memref<128x64xbf16, #tpu.memory_space<vmem>>
        %dma_wait3A_453 = arith.constant 0 : i32
        %dma_wait3A_454 = tpu.memref_slice %arg5[%dma_wait3A_447, %dma_wait3A_453] : memref<400x128xi32, #tpu.memory_space<vmem>> -> memref<1x128xi32, #tpu.memory_space<vmem>>
        %dma_wait3A_455 = tpu.memref_squeeze %dma_wait3A_454 : memref<1x128xi32, #tpu.memory_space<vmem>> -> memref<128xi32, #tpu.memory_space<vmem>>
        %dma_wait3A_456 = arith.constant 0 : i32
        %dma_wait3A_457 = arith.constant 0 : i32
        %dma_wait3A_458 = tpu.memref_slice %arg3[%dma_wait3A_456, %dma_wait3A_457] : memref<100000x64xbf16, #tpu.memory_space<hbm>> -> memref<100000x64xbf16, #tpu.memory_space<hbm>>
        tpu.wait_indirect_dma semaphore(%arg9 : memref<!tpu.dma_semaphore, #tpu.memory_space<semaphore_mem>>) src(%dma_wait3A_458 : memref<100000x64xbf16, #tpu.memory_space<hbm>>) dst(%dma_wait3A_452 : memref<128x64xbf16, #tpu.memory_space<vmem>>)
        %dma_wait3A_459 = arith.constant 0 : i32
        %dma_wait3A_460 = arith.constant 0 : i32
        %dma_wait3A_461 = arith.constant 0 : i32
        %dma_wait3A_462 = arith.constant 0 : i32
        %dma_wait3A_463 = tpu.memref_slice %arg6[%dma_wait3A_460, %dma_wait3A_461, %dma_wait3A_462] : memref<2x128x64xbf16, #tpu.memory_space<vmem>> -> memref<1x128x64xbf16, #tpu.memory_space<vmem>>
        %dma_wait3A_464 = tpu.memref_squeeze %dma_wait3A_463 : memref<1x128x64xbf16, #tpu.memory_space<vmem>> -> memref<128x64xbf16, #tpu.memory_space<vmem>>
        %dma_wait3A_465 = arith.constant 0 : i32
        %dma_wait3A_466 = tpu.memref_slice %arg5[%dma_wait3A_459, %dma_wait3A_465] : memref<400x128xi32, #tpu.memory_space<vmem>> -> memref<1x128xi32, #tpu.memory_space<vmem>>
        %dma_wait3A_467 = tpu.memref_squeeze %dma_wait3A_466 : memref<1x128xi32, #tpu.memory_space<vmem>> -> memref<128xi32, #tpu.memory_space<vmem>>
        %dma_wait3A_468 = arith.constant 0 : i32
        %dma_wait3A_469 = arith.constant 0 : i32
        %dma_wait3A_470 = tpu.memref_slice %arg3[%dma_wait3A_468, %dma_wait3A_469] : memref<100000x64xbf16, #tpu.memory_space<hbm>> -> memref<100000x64xbf16, #tpu.memory_space<hbm>>
        tpu.wait_indirect_dma semaphore(%arg9 : memref<!tpu.dma_semaphore, #tpu.memory_space<semaphore_mem>>) src(%dma_wait3A_470 : memref<100000x64xbf16, #tpu.memory_space<hbm>>) dst(%dma_wait3A_464 : memref<128x64xbf16, #tpu.memory_space<vmem>>)
        %dma_wait3A_471 = arith.constant 0 : i32
        %dma_wait3A_472 = arith.constant 0 : i32
        %dma_wait3A_473 = arith.constant 0 : i32
        %dma_wait3A_474 = arith.constant 0 : i32
        %dma_wait3A_475 = tpu.memref_slice %arg6[%dma_wait3A_472, %dma_wait3A_473, %dma_wait3A_474] : memref<2x128x64xbf16, #tpu.memory_space<vmem>> -> memref<1x128x64xbf16, #tpu.memory_space<vmem>>
        %dma_wait3A_476 = tpu.memref_squeeze %dma_wait3A_475 : memref<1x128x64xbf16, #tpu.memory_space<vmem>> -> memref<128x64xbf16, #tpu.memory_space<vmem>>
        %dma_wait3A_477 = arith.constant 0 : i32
        %dma_wait3A_478 = tpu.memref_slice %arg5[%dma_wait3A_471, %dma_wait3A_477] : memref<400x128xi32, #tpu.memory_space<vmem>> -> memref<1x128xi32, #tpu.memory_space<vmem>>
        %dma_wait3A_479 = tpu.memref_squeeze %dma_wait3A_478 : memref<1x128xi32, #tpu.memory_space<vmem>> -> memref<128xi32, #tpu.memory_space<vmem>>
        %dma_wait3A_480 = arith.constant 0 : i32
        %dma_wait3A_481 = arith.constant 0 : i32
        %dma_wait3A_482 = tpu.memref_slice %arg3[%dma_wait3A_480, %dma_wait3A_481] : memref<100000x64xbf16, #tpu.memory_space<hbm>> -> memref<100000x64xbf16, #tpu.memory_space<hbm>>
        tpu.wait_indirect_dma semaphore(%arg9 : memref<!tpu.dma_semaphore, #tpu.memory_space<semaphore_mem>>) src(%dma_wait3A_482 : memref<100000x64xbf16, #tpu.memory_space<hbm>>) dst(%dma_wait3A_476 : memref<128x64xbf16, #tpu.memory_space<vmem>>)
        %dma_wait3A_483 = arith.constant 0 : i32
        %dma_wait3A_484 = arith.constant 0 : i32
        %dma_wait3A_485 = arith.constant 0 : i32
        %dma_wait3A_486 = arith.constant 0 : i32
        %dma_wait3A_487 = tpu.memref_slice %arg6[%dma_wait3A_484, %dma_wait3A_485, %dma_wait3A_486] : memref<2x128x64xbf16, #tpu.memory_space<vmem>> -> memref<1x128x64xbf16, #tpu.memory_space<vmem>>
        %dma_wait3A_488 = tpu.memref_squeeze %dma_wait3A_487 : memref<1x128x64xbf16, #tpu.memory_space<vmem>> -> memref<128x64xbf16, #tpu.memory_space<vmem>>
        %dma_wait3A_489 = arith.constant 0 : i32
        %dma_wait3A_490 = tpu.memref_slice %arg5[%dma_wait3A_483, %dma_wait3A_489] : memref<400x128xi32, #tpu.memory_space<vmem>> -> memref<1x128xi32, #tpu.memory_space<vmem>>
        %dma_wait3A_491 = tpu.memref_squeeze %dma_wait3A_490 : memref<1x128xi32, #tpu.memory_space<vmem>> -> memref<128xi32, #tpu.memory_space<vmem>>
        %dma_wait3A_492 = arith.constant 0 : i32
        %dma_wait3A_493 = arith.constant 0 : i32
        %dma_wait3A_494 = tpu.memref_slice %arg3[%dma_wait3A_492, %dma_wait3A_493] : memref<100000x64xbf16, #tpu.memory_space<hbm>> -> memref<100000x64xbf16, #tpu.memory_space<hbm>>
        tpu.wait_indirect_dma semaphore(%arg9 : memref<!tpu.dma_semaphore, #tpu.memory_space<semaphore_mem>>) src(%dma_wait3A_494 : memref<100000x64xbf16, #tpu.memory_space<hbm>>) dst(%dma_wait3A_488 : memref<128x64xbf16, #tpu.memory_space<vmem>>)
        %dma_wait3A_495 = arith.constant 0 : i32
        %dma_wait3A_496 = arith.constant 0 : i32
        %dma_wait3A_497 = arith.constant 0 : i32
        %dma_wait3A_498 = arith.constant 0 : i32
        %dma_wait3A_499 = tpu.memref_slice %arg6[%dma_wait3A_496, %dma_wait3A_497, %dma_wait3A_498] : memref<2x128x64xbf16, #tpu.memory_space<vmem>> -> memref<1x128x64xbf16, #tpu.memory_space<vmem>>
        %dma_wait3A_500 = tpu.memref_squeeze %dma_wait3A_499 : memref<1x128x64xbf16, #tpu.memory_space<vmem>> -> memref<128x64xbf16, #tpu.memory_space<vmem>>
        %dma_wait3A_501 = arith.constant 0 : i32
        %dma_wait3A_502 = tpu.memref_slice %arg5[%dma_wait3A_495, %dma_wait3A_501] : memref<400x128xi32, #tpu.memory_space<vmem>> -> memref<1x128xi32, #tpu.memory_space<vmem>>
        %dma_wait3A_503 = tpu.memref_squeeze %dma_wait3A_502 : memref<1x128xi32, #tpu.memory_space<vmem>> -> memref<128xi32, #tpu.memory_space<vmem>>
        %dma_wait3A_504 = arith.constant 0 : i32
        %dma_wait3A_505 = arith.constant 0 : i32
        %dma_wait3A_506 = tpu.memref_slice %arg3[%dma_wait3A_504, %dma_wait3A_505] : memref<100000x64xbf16, #tpu.memory_space<hbm>> -> memref<100000x64xbf16, #tpu.memory_space<hbm>>
        tpu.wait_indirect_dma semaphore(%arg9 : memref<!tpu.dma_semaphore, #tpu.memory_space<semaphore_mem>>) src(%dma_wait3A_506 : memref<100000x64xbf16, #tpu.memory_space<hbm>>) dst(%dma_wait3A_500 : memref<128x64xbf16, #tpu.memory_space<vmem>>)
        %dma_wait3A_507 = arith.constant 0 : i32
        %dma_wait3A_508 = arith.constant 0 : i32
        %dma_wait3A_509 = arith.constant 0 : i32
        %dma_wait3A_510 = arith.constant 0 : i32
        %dma_wait3A_511 = tpu.memref_slice %arg6[%dma_wait3A_508, %dma_wait3A_509, %dma_wait3A_510] : memref<2x128x64xbf16, #tpu.memory_space<vmem>> -> memref<1x128x64xbf16, #tpu.memory_space<vmem>>
        %dma_wait3A_512 = tpu.memref_squeeze %dma_wait3A_511 : memref<1x128x64xbf16, #tpu.memory_space<vmem>> -> memref<128x64xbf16, #tpu.memory_space<vmem>>
        %dma_wait3A_513 = arith.constant 0 : i32
        %dma_wait3A_514 = tpu.memref_slice %arg5[%dma_wait3A_507, %dma_wait3A_513] : memref<400x128xi32, #tpu.memory_space<vmem>> -> memref<1x128xi32, #tpu.memory_space<vmem>>
        %dma_wait3A_515 = tpu.memref_squeeze %dma_wait3A_514 : memref<1x128xi32, #tpu.memory_space<vmem>> -> memref<128xi32, #tpu.memory_space<vmem>>
        %dma_wait3A_516 = arith.constant 0 : i32
        %dma_wait3A_517 = arith.constant 0 : i32
        %dma_wait3A_518 = tpu.memref_slice %arg3[%dma_wait3A_516, %dma_wait3A_517] : memref<100000x64xbf16, #tpu.memory_space<hbm>> -> memref<100000x64xbf16, #tpu.memory_space<hbm>>
        tpu.wait_indirect_dma semaphore(%arg9 : memref<!tpu.dma_semaphore, #tpu.memory_space<semaphore_mem>>) src(%dma_wait3A_518 : memref<100000x64xbf16, #tpu.memory_space<hbm>>) dst(%dma_wait3A_512 : memref<128x64xbf16, #tpu.memory_space<vmem>>)
        %dma_wait3A_519 = arith.constant 0 : i32
        %dma_wait3A_520 = arith.constant 0 : i32
        %dma_wait3A_521 = arith.constant 0 : i32
        %dma_wait3A_522 = arith.constant 0 : i32
        %dma_wait3A_523 = tpu.memref_slice %arg6[%dma_wait3A_520, %dma_wait3A_521, %dma_wait3A_522] : memref<2x128x64xbf16, #tpu.memory_space<vmem>> -> memref<1x128x64xbf16, #tpu.memory_space<vmem>>
        %dma_wait3A_524 = tpu.memref_squeeze %dma_wait3A_523 : memref<1x128x64xbf16, #tpu.memory_space<vmem>> -> memref<128x64xbf16, #tpu.memory_space<vmem>>
        %dma_wait3A_525 = arith.constant 0 : i32
        %dma_wait3A_526 = tpu.memref_slice %arg5[%dma_wait3A_519, %dma_wait3A_525] : memref<400x128xi32, #tpu.memory_space<vmem>> -> memref<1x128xi32, #tpu.memory_space<vmem>>
        %dma_wait3A_527 = tpu.memref_squeeze %dma_wait3A_526 : memref<1x128xi32, #tpu.memory_space<vmem>> -> memref<128xi32, #tpu.memory_space<vmem>>
        %dma_wait3A_528 = arith.constant 0 : i32
        %dma_wait3A_529 = arith.constant 0 : i32
        %dma_wait3A_530 = tpu.memref_slice %arg3[%dma_wait3A_528, %dma_wait3A_529] : memref<100000x64xbf16, #tpu.memory_space<hbm>> -> memref<100000x64xbf16, #tpu.memory_space<hbm>>
        tpu.wait_indirect_dma semaphore(%arg9 : memref<!tpu.dma_semaphore, #tpu.memory_space<semaphore_mem>>) src(%dma_wait3A_530 : memref<100000x64xbf16, #tpu.memory_space<hbm>>) dst(%dma_wait3A_524 : memref<128x64xbf16, #tpu.memory_space<vmem>>)
        %dma_wait3A_531 = arith.constant 0 : i32
        %dma_wait3A_532 = arith.constant 0 : i32
        %dma_wait3A_533 = arith.constant 0 : i32
        %dma_wait3A_534 = arith.constant 0 : i32
        %dma_wait3A_535 = tpu.memref_slice %arg6[%dma_wait3A_532, %dma_wait3A_533, %dma_wait3A_534] : memref<2x128x64xbf16, #tpu.memory_space<vmem>> -> memref<1x128x64xbf16, #tpu.memory_space<vmem>>
        %dma_wait3A_536 = tpu.memref_squeeze %dma_wait3A_535 : memref<1x128x64xbf16, #tpu.memory_space<vmem>> -> memref<128x64xbf16, #tpu.memory_space<vmem>>
        %dma_wait3A_537 = arith.constant 0 : i32
        %dma_wait3A_538 = tpu.memref_slice %arg5[%dma_wait3A_531, %dma_wait3A_537] : memref<400x128xi32, #tpu.memory_space<vmem>> -> memref<1x128xi32, #tpu.memory_space<vmem>>
        %dma_wait3A_539 = tpu.memref_squeeze %dma_wait3A_538 : memref<1x128xi32, #tpu.memory_space<vmem>> -> memref<128xi32, #tpu.memory_space<vmem>>
        %dma_wait3A_540 = arith.constant 0 : i32
        %dma_wait3A_541 = arith.constant 0 : i32
        %dma_wait3A_542 = tpu.memref_slice %arg3[%dma_wait3A_540, %dma_wait3A_541] : memref<100000x64xbf16, #tpu.memory_space<hbm>> -> memref<100000x64xbf16, #tpu.memory_space<hbm>>
        tpu.wait_indirect_dma semaphore(%arg9 : memref<!tpu.dma_semaphore, #tpu.memory_space<semaphore_mem>>) src(%dma_wait3A_542 : memref<100000x64xbf16, #tpu.memory_space<hbm>>) dst(%dma_wait3A_536 : memref<128x64xbf16, #tpu.memory_space<vmem>>)
        %scan3A_543 = arith.constant 0 : i32
        %scan3A_544 = arith.constant 0 : i32
        %scan3A_545 = arith.constant 0 : i32
        %scan3A_546 = arith.constant 0 : i32
        %scan3A_547 = arith.constant 128 : i32
        %scan3A_548 = arith.addi %scan3A_546, %scan3A_547 : i32
        %scan3A_549 = arith.constant 2 : i32
        scf.for %scan3A_571 = %scan3A_546 to %scan3A_548 step %scan3A_549  : i32 {
          %get3A = arith.constant 0 : i32
          %get3A_572 = arith.constant 0 : i32
          %get3A_573 = tpu.memref_slice %arg6[%scan3A_544, %get3A, %get3A_572] : memref<2x128x64xbf16, #tpu.memory_space<vmem>> -> memref<1x128x64xbf16, #tpu.memory_space<vmem>>
          %get3A_574 = tpu.memref_squeeze %get3A_573 : memref<1x128x64xbf16, #tpu.memory_space<vmem>> -> memref<128x64xbf16, #tpu.memory_space<vmem>>
          %get3A_575 = arith.index_cast %scan3A_571 : i32 to index
          %get3A_576 = arith.constant 0 : index
          %get3A_577 = tpu.vector_load %get3A_574[%get3A_575, %get3A_576] {strides = array<i32>} : memref<128x64xbf16, #tpu.memory_space<vmem>>, vector<32xbf16>,
          %bitcast3A = vector.bitcast %get3A_577 : vector<32xbf16> to vector<16xi32>
          %shift_left3A = arith.constant 16 : i32
          %shift_left3A_578 = vector.broadcast %shift_left3A : i32 to vector<16xi32>
          %shift_left3A_579 = arith.shli %bitcast3A, %shift_left3A_578 : vector<16xi32>
          %bitcast3A_580 = vector.bitcast %shift_left3A_579 : vector<16xi32> to vector<16xf32>
          %and3A = arith.andi %bitcast3A, %broadcast_in_dim3A_5 : vector<16xi32>
          %bitcast3A_581 = vector.bitcast %and3A : vector<16xi32> to vector<16xf32>
          %swap3A = arith.constant 0 : i32
          %swap3A_582 = arith.constant 0 : i32
          %swap3A_583 = tpu.memref_slice %arg7[%scan3A_545, %swap3A, %swap3A_582] : memref<2x128x64xf32, #tpu.memory_space<vmem>> -> memref<1x128x64xf32, #tpu.memory_space<vmem>>
          %swap3A_584 = tpu.memref_squeeze %swap3A_583 : memref<1x128x64xf32, #tpu.memory_space<vmem>> -> memref<128x64xf32, #tpu.memory_space<vmem>>
          %swap3A_585 = arith.index_cast %scan3A_571 : i32 to index
          %swap3A_586 = arith.constant 0 : index
          %swap3A_587 = tpu.vector_load %swap3A_584[%swap3A_585, %swap3A_586] {strides = array<i32>} : memref<128x64xf32, #tpu.memory_space<vmem>>, vector<16xf32>,
          tpu.vector_store %swap3A_584[%swap3A_585, %swap3A_586], %bitcast3A_580 {strides = array<i32>} : memref<128x64xf32, #tpu.memory_space<vmem>>, vector<16xf32>,
          %swap3A_588 = arith.constant 0 : i32
          %swap3A_589 = arith.constant 0 : i32
          %swap3A_590 = tpu.memref_slice %arg7[%scan3A_545, %swap3A_588, %swap3A_589] : memref<2x128x64xf32, #tpu.memory_space<vmem>> -> memref<1x128x64xf32, #tpu.memory_space<vmem>>
          %swap3A_591 = tpu.memref_squeeze %swap3A_590 : memref<1x128x64xf32, #tpu.memory_space<vmem>> -> memref<128x64xf32, #tpu.memory_space<vmem>>
          %swap3A_592 = arith.index_cast %scan3A_571 : i32 to index
          %swap3A_593 = arith.constant 16 : index
          %swap3A_594 = tpu.vector_load %swap3A_591[%swap3A_592, %swap3A_593] {strides = array<i32>} : memref<128x64xf32, #tpu.memory_space<vmem>>, vector<16xf32>,
          tpu.vector_store %swap3A_591[%swap3A_592, %swap3A_593], %bitcast3A_581 {strides = array<i32>} : memref<128x64xf32, #tpu.memory_space<vmem>>, vector<16xf32>,
          %get3A_595 = arith.constant 0 : i32
          %get3A_596 = arith.constant 0 : i32
          %get3A_597 = tpu.memref_slice %arg6[%scan3A_544, %get3A_595, %get3A_596] : memref<2x128x64xbf16, #tpu.memory_space<vmem>> -> memref<1x128x64xbf16, #tpu.memory_space<vmem>>
          %get3A_598 = tpu.memref_squeeze %get3A_597 : memref<1x128x64xbf16, #tpu.memory_space<vmem>> -> memref<128x64xbf16, #tpu.memory_space<vmem>>
          %get3A_599 = arith.index_cast %scan3A_571 : i32 to index
          %get3A_600 = arith.constant 32 : index
          %get3A_601 = tpu.vector_load %get3A_598[%get3A_599, %get3A_600] {strides = array<i32>} : memref<128x64xbf16, #tpu.memory_space<vmem>>, vector<32xbf16>,
          %bitcast3A_602 = vector.bitcast %get3A_601 : vector<32xbf16> to vector<16xi32>
          %shift_left3A_603 = arith.constant 16 : i32
          %shift_left3A_604 = vector.broadcast %shift_left3A_603 : i32 to vector<16xi32>
          %shift_left3A_605 = arith.shli %bitcast3A_602, %shift_left3A_604 : vector<16xi32>
          %bitcast3A_606 = vector.bitcast %shift_left3A_605 : vector<16xi32> to vector<16xf32>
          %and3A_607 = arith.andi %bitcast3A_602, %broadcast_in_dim3A_5 : vector<16xi32>
          %bitcast3A_608 = vector.bitcast %and3A_607 : vector<16xi32> to vector<16xf32>
          %swap3A_609 = arith.constant 0 : i32
          %swap3A_610 = arith.constant 0 : i32
          %swap3A_611 = tpu.memref_slice %arg7[%scan3A_545, %swap3A_609, %swap3A_610] : memref<2x128x64xf32, #tpu.memory_space<vmem>> -> memref<1x128x64xf32, #tpu.memory_space<vmem>>
          %swap3A_612 = tpu.memref_squeeze %swap3A_611 : memref<1x128x64xf32, #tpu.memory_space<vmem>> -> memref<128x64xf32, #tpu.memory_space<vmem>>
          %swap3A_613 = arith.index_cast %scan3A_571 : i32 to index
          %swap3A_614 = arith.constant 32 : index
          %swap3A_615 = tpu.vector_load %swap3A_612[%swap3A_613, %swap3A_614] {strides = array<i32>} : memref<128x64xf32, #tpu.memory_space<vmem>>, vector<16xf32>,
          tpu.vector_store %swap3A_612[%swap3A_613, %swap3A_614], %bitcast3A_606 {strides = array<i32>} : memref<128x64xf32, #tpu.memory_space<vmem>>, vector<16xf32>,
          %swap3A_616 = arith.constant 0 : i32
          %swap3A_617 = arith.constant 0 : i32
          %swap3A_618 = tpu.memref_slice %arg7[%scan3A_545, %swap3A_616, %swap3A_617] : memref<2x128x64xf32, #tpu.memory_space<vmem>> -> memref<1x128x64xf32, #tpu.memory_space<vmem>>
          %swap3A_619 = tpu.memref_squeeze %swap3A_618 : memref<1x128x64xf32, #tpu.memory_space<vmem>> -> memref<128x64xf32, #tpu.memory_space<vmem>>
          %swap3A_620 = arith.index_cast %scan3A_571 : i32 to index
          %swap3A_621 = arith.constant 48 : index
          %swap3A_622 = tpu.vector_load %swap3A_619[%swap3A_620, %swap3A_621] {strides = array<i32>} : memref<128x64xf32, #tpu.memory_space<vmem>>, vector<16xf32>,
          tpu.vector_store %swap3A_619[%swap3A_620, %swap3A_621], %bitcast3A_608 {strides = array<i32>} : memref<128x64xf32, #tpu.memory_space<vmem>>, vector<16xf32>,
          %scan3A_623 = arith.constant 1 : i32
          %scan3A_624 = arith.addi %scan3A_571, %scan3A_623 : i32
          %get3A_625 = arith.constant 0 : i32
          %get3A_626 = arith.constant 0 : i32
          %get3A_627 = tpu.memref_slice %arg6[%scan3A_544, %get3A_625, %get3A_626] : memref<2x128x64xbf16, #tpu.memory_space<vmem>> -> memref<1x128x64xbf16, #tpu.memory_space<vmem>>
          %get3A_628 = tpu.memref_squeeze %get3A_627 : memref<1x128x64xbf16, #tpu.memory_space<vmem>> -> memref<128x64xbf16, #tpu.memory_space<vmem>>
          %get3A_629 = arith.index_cast %scan3A_624 : i32 to index
          %get3A_630 = arith.constant 0 : index
          %get3A_631 = tpu.vector_load %get3A_628[%get3A_629, %get3A_630] {strides = array<i32>} : memref<128x64xbf16, #tpu.memory_space<vmem>>, vector<32xbf16>,
          %bitcast3A_632 = vector.bitcast %get3A_631 : vector<32xbf16> to vector<16xi32>
          %shift_left3A_633 = arith.constant 16 : i32
          %shift_left3A_634 = vector.broadcast %shift_left3A_633 : i32 to vector<16xi32>
          %shift_left3A_635 = arith.shli %bitcast3A_632, %shift_left3A_634 : vector<16xi32>
          %bitcast3A_636 = vector.bitcast %shift_left3A_635 : vector<16xi32> to vector<16xf32>
          %and3A_637 = arith.andi %bitcast3A_632, %broadcast_in_dim3A_5 : vector<16xi32>
          %bitcast3A_638 = vector.bitcast %and3A_637 : vector<16xi32> to vector<16xf32>
          %swap3A_639 = arith.constant 0 : i32
          %swap3A_640 = arith.constant 0 : i32
          %swap3A_641 = tpu.memref_slice %arg7[%scan3A_545, %swap3A_639, %swap3A_640] : memref<2x128x64xf32, #tpu.memory_space<vmem>> -> memref<1x128x64xf32, #tpu.memory_space<vmem>>
          %swap3A_642 = tpu.memref_squeeze %swap3A_641 : memref<1x128x64xf32, #tpu.memory_space<vmem>> -> memref<128x64xf32, #tpu.memory_space<vmem>>
          %swap3A_643 = arith.index_cast %scan3A_624 : i32 to index
          %swap3A_644 = arith.constant 0 : index
          %swap3A_645 = tpu.vector_load %swap3A_642[%swap3A_643, %swap3A_644] {strides = array<i32>} : memref<128x64xf32, #tpu.memory_space<vmem>>, vector<16xf32>,
          tpu.vector_store %swap3A_642[%swap3A_643, %swap3A_644], %bitcast3A_636 {strides = array<i32>} : memref<128x64xf32, #tpu.memory_space<vmem>>, vector<16xf32>,
          %swap3A_646 = arith.constant 0 : i32
          %swap3A_647 = arith.constant 0 : i32
          %swap3A_648 = tpu.memref_slice %arg7[%scan3A_545, %swap3A_646, %swap3A_647] : memref<2x128x64xf32, #tpu.memory_space<vmem>> -> memref<1x128x64xf32, #tpu.memory_space<vmem>>
          %swap3A_649 = tpu.memref_squeeze %swap3A_648 : memref<1x128x64xf32, #tpu.memory_space<vmem>> -> memref<128x64xf32, #tpu.memory_space<vmem>>
          %swap3A_650 = arith.index_cast %scan3A_624 : i32 to index
          %swap3A_651 = arith.constant 16 : index
          %swap3A_652 = tpu.vector_load %swap3A_649[%swap3A_650, %swap3A_651] {strides = array<i32>} : memref<128x64xf32, #tpu.memory_space<vmem>>, vector<16xf32>,
          tpu.vector_store %swap3A_649[%swap3A_650, %swap3A_651], %bitcast3A_638 {strides = array<i32>} : memref<128x64xf32, #tpu.memory_space<vmem>>, vector<16xf32>,
          %get3A_653 = arith.constant 0 : i32
          %get3A_654 = arith.constant 0 : i32
          %get3A_655 = tpu.memref_slice %arg6[%scan3A_544, %get3A_653, %get3A_654] : memref<2x128x64xbf16, #tpu.memory_space<vmem>> -> memref<1x128x64xbf16, #tpu.memory_space<vmem>>
          %get3A_656 = tpu.memref_squeeze %get3A_655 : memref<1x128x64xbf16, #tpu.memory_space<vmem>> -> memref<128x64xbf16, #tpu.memory_space<vmem>>
          %get3A_657 = arith.index_cast %scan3A_624 : i32 to index
          %get3A_658 = arith.constant 32 : index
          %get3A_659 = tpu.vector_load %get3A_656[%get3A_657, %get3A_658] {strides = array<i32>} : memref<128x64xbf16, #tpu.memory_space<vmem>>, vector<32xbf16>,
          %bitcast3A_660 = vector.bitcast %get3A_659 : vector<32xbf16> to vector<16xi32>
          %shift_left3A_661 = arith.constant 16 : i32
          %shift_left3A_662 = vector.broadcast %shift_left3A_661 : i32 to vector<16xi32>
          %shift_left3A_663 = arith.shli %bitcast3A_660, %shift_left3A_662 : vector<16xi32>
          %bitcast3A_664 = vector.bitcast %shift_left3A_663 : vector<16xi32> to vector<16xf32>
          %and3A_665 = arith.andi %bitcast3A_660, %broadcast_in_dim3A_5 : vector<16xi32>
          %bitcast3A_666 = vector.bitcast %and3A_665 : vector<16xi32> to vector<16xf32>
          %swap3A_667 = arith.constant 0 : i32
          %swap3A_668 = arith.constant 0 : i32
          %swap3A_669 = tpu.memref_slice %arg7[%scan3A_545, %swap3A_667, %swap3A_668] : memref<2x128x64xf32, #tpu.memory_space<vmem>> -> memref<1x128x64xf32, #tpu.memory_space<vmem>>
          %swap3A_670 = tpu.memref_squeeze %swap3A_669 : memref<1x128x64xf32, #tpu.memory_space<vmem>> -> memref<128x64xf32, #tpu.memory_space<vmem>>
          %swap3A_671 = arith.index_cast %scan3A_624 : i32 to index
          %swap3A_672 = arith.constant 32 : index
          %swap3A_673 = tpu.vector_load %swap3A_670[%swap3A_671, %swap3A_672] {strides = array<i32>} : memref<128x64xf32, #tpu.memory_space<vmem>>, vector<16xf32>,
          tpu.vector_store %swap3A_670[%swap3A_671, %swap3A_672], %bitcast3A_664 {strides = array<i32>} : memref<128x64xf32, #tpu.memory_space<vmem>>, vector<16xf32>,
          %swap3A_674 = arith.constant 0 : i32
          %swap3A_675 = arith.constant 0 : i32
          %swap3A_676 = tpu.memref_slice %arg7[%scan3A_545, %swap3A_674, %swap3A_675] : memref<2x128x64xf32, #tpu.memory_space<vmem>> -> memref<1x128x64xf32, #tpu.memory_space<vmem>>
          %swap3A_677 = tpu.memref_squeeze %swap3A_676 : memref<1x128x64xf32, #tpu.memory_space<vmem>> -> memref<128x64xf32, #tpu.memory_space<vmem>>
          %swap3A_678 = arith.index_cast %scan3A_624 : i32 to index
          %swap3A_679 = arith.constant 48 : index
          %swap3A_680 = tpu.vector_load %swap3A_677[%swap3A_678, %swap3A_679] {strides = array<i32>} : memref<128x64xf32, #tpu.memory_space<vmem>>, vector<16xf32>,
          tpu.vector_store %swap3A_677[%swap3A_678, %swap3A_679], %bitcast3A_666 {strides = array<i32>} : memref<128x64xf32, #tpu.memory_space<vmem>>, vector<16xf32>,
        }
        %scan3A_550 = arith.constant 128 : i32
        %sub3A = arith.constant 1 : i32
        %sub3A_551 = arith.subi %add3A_309, %sub3A : i32
        %mul3A_552 = arith.constant 6400 : i32
        %mul3A_553 = arith.muli %add3A, %mul3A_552 : i32
        %mul3A_554 = arith.constant 128 : i32
        %mul3A_555 = arith.muli %sub3A_551, %mul3A_554 : i32
        %add3A_556 = arith.addi %mul3A_553, %mul3A_555 : i32
        %multiple_of3A_557 = tpu.assume_multiple %add3A_556, 128 : i32
        %dma_start3A_558 = arith.constant 0 : i32
        %dma_start3A_559 = arith.constant 0 : i32
        %dma_start3A_560 = arith.constant 0 : i32
        %dma_start3A_561 = tpu.memref_slice %arg7[%dma_start3A_558, %dma_start3A_559, %dma_start3A_560] : memref<2x128x64xf32, #tpu.memory_space<vmem>> -> memref<1x128x64xf32, #tpu.memory_space<vmem>>
        %dma_start3A_562 = tpu.memref_squeeze %dma_start3A_561 : memref<1x128x64xf32, #tpu.memory_space<vmem>> -> memref<128x64xf32, #tpu.memory_space<vmem>>
        %dma_start3A_563 = arith.constant 0 : i32
        %dma_start3A_564 = tpu.memref_slice %arg4[%multiple_of3A_557, %dma_start3A_563] : memref<204800x64xf32, #tpu.memory_space<hbm>> -> memref<128x64xf32, #tpu.memory_space<hbm>>
        %dma_start3A_565 = arith.constant 0 : i32
        %dma_start3A_566 = tpu.memref_slice %arg4[%multiple_of3A_557, %dma_start3A_565] : memref<204800x64xf32, #tpu.memory_space<hbm>> -> memref<128x64xf32, #tpu.memory_space<hbm>>
        %dma_start3A_567 = arith.constant 0 : i32
        %dma_start3A_568 = arith.constant 0 : i32
        %dma_start3A_569 = tpu.memref_slice %arg7[%dma_start3A_558, %dma_start3A_567, %dma_start3A_568] : memref<2x128x64xf32, #tpu.memory_space<vmem>> -> memref<1x128x64xf32, #tpu.memory_space<vmem>>
        %dma_start3A_570 = tpu.memref_squeeze %dma_start3A_569 : memref<1x128x64xf32, #tpu.memory_space<vmem>> -> memref<128x64xf32, #tpu.memory_space<vmem>>
        tpu.enqueue_dma source(%dma_start3A_570 : memref<128x64xf32, #tpu.memory_space<vmem>>) target(%dma_start3A_566 : memref<128x64xf32, #tpu.memory_space<hbm>>) target_semaphore(%arg11 : memref<!tpu.dma_semaphore, #tpu.memory_space<semaphore_mem>>)
      } else {
      }
    }
    %scan3A_10 = arith.constant 25 : i32
    %dma_wait3A = arith.constant 0 : i32
    %dma_wait3A_11 = arith.constant 1 : i32
    %dma_wait3A_12 = arith.constant 0 : i32
    %dma_wait3A_13 = arith.constant 0 : i32
    %dma_wait3A_14 = tpu.memref_slice %arg6[%dma_wait3A_11, %dma_wait3A_12, %dma_wait3A_13] : memref<2x128x64xbf16, #tpu.memory_space<vmem>> -> memref<1x128x64xbf16, #tpu.memory_space<vmem>>
    %dma_wait3A_15 = tpu.memref_squeeze %dma_wait3A_14 : memref<1x128x64xbf16, #tpu.memory_space<vmem>> -> memref<128x64xbf16, #tpu.memory_space<vmem>>
    %dma_wait3A_16 = arith.constant 0 : i32
    %dma_wait3A_17 = tpu.memref_slice %arg5[%dma_wait3A, %dma_wait3A_16] : memref<400x128xi32, #tpu.memory_space<vmem>> -> memref<1x128xi32, #tpu.memory_space<vmem>>
    %dma_wait3A_18 = tpu.memref_squeeze %dma_wait3A_17 : memref<1x128xi32, #tpu.memory_space<vmem>> -> memref<128xi32, #tpu.memory_space<vmem>>
    %dma_wait3A_19 = arith.constant 0 : i32
    %dma_wait3A_20 = arith.constant 0 : i32
    %dma_wait3A_21 = tpu.memref_slice %arg3[%dma_wait3A_19, %dma_wait3A_20] : memref<100000x64xbf16, #tpu.memory_space<hbm>> -> memref<100000x64xbf16, #tpu.memory_space<hbm>>
    tpu.wait_indirect_dma semaphore(%arg10 : memref<!tpu.dma_semaphore, #tpu.memory_space<semaphore_mem>>) src(%dma_wait3A_21 : memref<100000x64xbf16, #tpu.memory_space<hbm>>) dst(%dma_wait3A_15 : memref<128x64xbf16, #tpu.memory_space<vmem>>)
    %dma_wait3A_22 = arith.constant 0 : i32
    %dma_wait3A_23 = arith.constant 1 : i32
    %dma_wait3A_24 = arith.constant 0 : i32
    %dma_wait3A_25 = arith.constant 0 : i32
    %dma_wait3A_26 = tpu.memref_slice %arg6[%dma_wait3A_23, %dma_wait3A_24, %dma_wait3A_25] : memref<2x128x64xbf16, #tpu.memory_space<vmem>> -> memref<1x128x64xbf16, #tpu.memory_space<vmem>>
    %dma_wait3A_27 = tpu.memref_squeeze %dma_wait3A_26 : memref<1x128x64xbf16, #tpu.memory_space<vmem>> -> memref<128x64xbf16, #tpu.memory_space<vmem>>
    %dma_wait3A_28 = arith.constant 0 : i32
    %dma_wait3A_29 = tpu.memref_slice %arg5[%dma_wait3A_22, %dma_wait3A_28] : memref<400x128xi32, #tpu.memory_space<vmem>> -> memref<1x128xi32, #tpu.memory_space<vmem>>
    %dma_wait3A_30 = tpu.memref_squeeze %dma_wait3A_29 : memref<1x128xi32, #tpu.memory_space<vmem>> -> memref<128xi32, #tpu.memory_space<vmem>>
    %dma_wait3A_31 = arith.constant 0 : i32
    %dma_wait3A_32 = arith.constant 0 : i32
    %dma_wait3A_33 = tpu.memref_slice %arg3[%dma_wait3A_31, %dma_wait3A_32] : memref<100000x64xbf16, #tpu.memory_space<hbm>> -> memref<100000x64xbf16, #tpu.memory_space<hbm>>
    tpu.wait_indirect_dma semaphore(%arg10 : memref<!tpu.dma_semaphore, #tpu.memory_space<semaphore_mem>>) src(%dma_wait3A_33 : memref<100000x64xbf16, #tpu.memory_space<hbm>>) dst(%dma_wait3A_27 : memref<128x64xbf16, #tpu.memory_space<vmem>>)
    %dma_wait3A_34 = arith.constant 0 : i32
    %dma_wait3A_35 = arith.constant 1 : i32
    %dma_wait3A_36 = arith.constant 0 : i32
    %dma_wait3A_37 = arith.constant 0 : i32
    %dma_wait3A_38 = tpu.memref_slice %arg6[%dma_wait3A_35, %dma_wait3A_36, %dma_wait3A_37] : memref<2x128x64xbf16, #tpu.memory_space<vmem>> -> memref<1x128x64xbf16, #tpu.memory_space<vmem>>
    %dma_wait3A_39 = tpu.memref_squeeze %dma_wait3A_38 : memref<1x128x64xbf16, #tpu.memory_space<vmem>> -> memref<128x64xbf16, #tpu.memory_space<vmem>>
    %dma_wait3A_40 = arith.constant 0 : i32
    %dma_wait3A_41 = tpu.memref_slice %arg5[%dma_wait3A_34, %dma_wait3A_40] : memref<400x128xi32, #tpu.memory_space<vmem>> -> memref<1x128xi32, #tpu.memory_space<vmem>>
    %dma_wait3A_42 = tpu.memref_squeeze %dma_wait3A_41 : memref<1x128xi32, #tpu.memory_space<vmem>> -> memref<128xi32, #tpu.memory_space<vmem>>
    %dma_wait3A_43 = arith.constant 0 : i32
    %dma_wait3A_44 = arith.constant 0 : i32
    %dma_wait3A_45 = tpu.memref_slice %arg3[%dma_wait3A_43, %dma_wait3A_44] : memref<100000x64xbf16, #tpu.memory_space<hbm>> -> memref<100000x64xbf16, #tpu.memory_space<hbm>>
    tpu.wait_indirect_dma semaphore(%arg10 : memref<!tpu.dma_semaphore, #tpu.memory_space<semaphore_mem>>) src(%dma_wait3A_45 : memref<100000x64xbf16, #tpu.memory_space<hbm>>) dst(%dma_wait3A_39 : memref<128x64xbf16, #tpu.memory_space<vmem>>)
    %dma_wait3A_46 = arith.constant 0 : i32
    %dma_wait3A_47 = arith.constant 1 : i32
    %dma_wait3A_48 = arith.constant 0 : i32
    %dma_wait3A_49 = arith.constant 0 : i32
    %dma_wait3A_50 = tpu.memref_slice %arg6[%dma_wait3A_47, %dma_wait3A_48, %dma_wait3A_49] : memref<2x128x64xbf16, #tpu.memory_space<vmem>> -> memref<1x128x64xbf16, #tpu.memory_space<vmem>>
    %dma_wait3A_51 = tpu.memref_squeeze %dma_wait3A_50 : memref<1x128x64xbf16, #tpu.memory_space<vmem>> -> memref<128x64xbf16, #tpu.memory_space<vmem>>
    %dma_wait3A_52 = arith.constant 0 : i32
    %dma_wait3A_53 = tpu.memref_slice %arg5[%dma_wait3A_46, %dma_wait3A_52] : memref<400x128xi32, #tpu.memory_space<vmem>> -> memref<1x128xi32, #tpu.memory_space<vmem>>
    %dma_wait3A_54 = tpu.memref_squeeze %dma_wait3A_53 : memref<1x128xi32, #tpu.memory_space<vmem>> -> memref<128xi32, #tpu.memory_space<vmem>>
    %dma_wait3A_55 = arith.constant 0 : i32
    %dma_wait3A_56 = arith.constant 0 : i32
    %dma_wait3A_57 = tpu.memref_slice %arg3[%dma_wait3A_55, %dma_wait3A_56] : memref<100000x64xbf16, #tpu.memory_space<hbm>> -> memref<100000x64xbf16, #tpu.memory_space<hbm>>
    tpu.wait_indirect_dma semaphore(%arg10 : memref<!tpu.dma_semaphore, #tpu.memory_space<semaphore_mem>>) src(%dma_wait3A_57 : memref<100000x64xbf16, #tpu.memory_space<hbm>>) dst(%dma_wait3A_51 : memref<128x64xbf16, #tpu.memory_space<vmem>>)
    %dma_wait3A_58 = arith.constant 0 : i32
    %dma_wait3A_59 = arith.constant 1 : i32
    %dma_wait3A_60 = arith.constant 0 : i32
    %dma_wait3A_61 = arith.constant 0 : i32
    %dma_wait3A_62 = tpu.memref_slice %arg6[%dma_wait3A_59, %dma_wait3A_60, %dma_wait3A_61] : memref<2x128x64xbf16, #tpu.memory_space<vmem>> -> memref<1x128x64xbf16, #tpu.memory_space<vmem>>
    %dma_wait3A_63 = tpu.memref_squeeze %dma_wait3A_62 : memref<1x128x64xbf16, #tpu.memory_space<vmem>> -> memref<128x64xbf16, #tpu.memory_space<vmem>>
    %dma_wait3A_64 = arith.constant 0 : i32
    %dma_wait3A_65 = tpu.memref_slice %arg5[%dma_wait3A_58, %dma_wait3A_64] : memref<400x128xi32, #tpu.memory_space<vmem>> -> memref<1x128xi32, #tpu.memory_space<vmem>>
    %dma_wait3A_66 = tpu.memref_squeeze %dma_wait3A_65 : memref<1x128xi32, #tpu.memory_space<vmem>> -> memref<128xi32, #tpu.memory_space<vmem>>
    %dma_wait3A_67 = arith.constant 0 : i32
    %dma_wait3A_68 = arith.constant 0 : i32
    %dma_wait3A_69 = tpu.memref_slice %arg3[%dma_wait3A_67, %dma_wait3A_68] : memref<100000x64xbf16, #tpu.memory_space<hbm>> -> memref<100000x64xbf16, #tpu.memory_space<hbm>>
    tpu.wait_indirect_dma semaphore(%arg10 : memref<!tpu.dma_semaphore, #tpu.memory_space<semaphore_mem>>) src(%dma_wait3A_69 : memref<100000x64xbf16, #tpu.memory_space<hbm>>) dst(%dma_wait3A_63 : memref<128x64xbf16, #tpu.memory_space<vmem>>)
    %dma_wait3A_70 = arith.constant 0 : i32
    %dma_wait3A_71 = arith.constant 1 : i32
    %dma_wait3A_72 = arith.constant 0 : i32
    %dma_wait3A_73 = arith.constant 0 : i32
    %dma_wait3A_74 = tpu.memref_slice %arg6[%dma_wait3A_71, %dma_wait3A_72, %dma_wait3A_73] : memref<2x128x64xbf16, #tpu.memory_space<vmem>> -> memref<1x128x64xbf16, #tpu.memory_space<vmem>>
    %dma_wait3A_75 = tpu.memref_squeeze %dma_wait3A_74 : memref<1x128x64xbf16, #tpu.memory_space<vmem>> -> memref<128x64xbf16, #tpu.memory_space<vmem>>
    %dma_wait3A_76 = arith.constant 0 : i32
    %dma_wait3A_77 = tpu.memref_slice %arg5[%dma_wait3A_70, %dma_wait3A_76] : memref<400x128xi32, #tpu.memory_space<vmem>> -> memref<1x128xi32, #tpu.memory_space<vmem>>
    %dma_wait3A_78 = tpu.memref_squeeze %dma_wait3A_77 : memref<1x128xi32, #tpu.memory_space<vmem>> -> memref<128xi32, #tpu.memory_space<vmem>>
    %dma_wait3A_79 = arith.constant 0 : i32
    %dma_wait3A_80 = arith.constant 0 : i32
    %dma_wait3A_81 = tpu.memref_slice %arg3[%dma_wait3A_79, %dma_wait3A_80] : memref<100000x64xbf16, #tpu.memory_space<hbm>> -> memref<100000x64xbf16, #tpu.memory_space<hbm>>
    tpu.wait_indirect_dma semaphore(%arg10 : memref<!tpu.dma_semaphore, #tpu.memory_space<semaphore_mem>>) src(%dma_wait3A_81 : memref<100000x64xbf16, #tpu.memory_space<hbm>>) dst(%dma_wait3A_75 : memref<128x64xbf16, #tpu.memory_space<vmem>>)
    %dma_wait3A_82 = arith.constant 0 : i32
    %dma_wait3A_83 = arith.constant 1 : i32
    %dma_wait3A_84 = arith.constant 0 : i32
    %dma_wait3A_85 = arith.constant 0 : i32
    %dma_wait3A_86 = tpu.memref_slice %arg6[%dma_wait3A_83, %dma_wait3A_84, %dma_wait3A_85] : memref<2x128x64xbf16, #tpu.memory_space<vmem>> -> memref<1x128x64xbf16, #tpu.memory_space<vmem>>
    %dma_wait3A_87 = tpu.memref_squeeze %dma_wait3A_86 : memref<1x128x64xbf16, #tpu.memory_space<vmem>> -> memref<128x64xbf16, #tpu.memory_space<vmem>>
    %dma_wait3A_88 = arith.constant 0 : i32
    %dma_wait3A_89 = tpu.memref_slice %arg5[%dma_wait3A_82, %dma_wait3A_88] : memref<400x128xi32, #tpu.memory_space<vmem>> -> memref<1x128xi32, #tpu.memory_space<vmem>>
    %dma_wait3A_90 = tpu.memref_squeeze %dma_wait3A_89 : memref<1x128xi32, #tpu.memory_space<vmem>> -> memref<128xi32, #tpu.memory_space<vmem>>
    %dma_wait3A_91 = arith.constant 0 : i32
    %dma_wait3A_92 = arith.constant 0 : i32
    %dma_wait3A_93 = tpu.memref_slice %arg3[%dma_wait3A_91, %dma_wait3A_92] : memref<100000x64xbf16, #tpu.memory_space<hbm>> -> memref<100000x64xbf16, #tpu.memory_space<hbm>>
    tpu.wait_indirect_dma semaphore(%arg10 : memref<!tpu.dma_semaphore, #tpu.memory_space<semaphore_mem>>) src(%dma_wait3A_93 : memref<100000x64xbf16, #tpu.memory_space<hbm>>) dst(%dma_wait3A_87 : memref<128x64xbf16, #tpu.memory_space<vmem>>)
    %dma_wait3A_94 = arith.constant 0 : i32
    %dma_wait3A_95 = arith.constant 1 : i32
    %dma_wait3A_96 = arith.constant 0 : i32
    %dma_wait3A_97 = arith.constant 0 : i32
    %dma_wait3A_98 = tpu.memref_slice %arg6[%dma_wait3A_95, %dma_wait3A_96, %dma_wait3A_97] : memref<2x128x64xbf16, #tpu.memory_space<vmem>> -> memref<1x128x64xbf16, #tpu.memory_space<vmem>>
    %dma_wait3A_99 = tpu.memref_squeeze %dma_wait3A_98 : memref<1x128x64xbf16, #tpu.memory_space<vmem>> -> memref<128x64xbf16, #tpu.memory_space<vmem>>
    %dma_wait3A_100 = arith.constant 0 : i32
    %dma_wait3A_101 = tpu.memref_slice %arg5[%dma_wait3A_94, %dma_wait3A_100] : memref<400x128xi32, #tpu.memory_space<vmem>> -> memref<1x128xi32, #tpu.memory_space<vmem>>
    %dma_wait3A_102 = tpu.memref_squeeze %dma_wait3A_101 : memref<1x128xi32, #tpu.memory_space<vmem>> -> memref<128xi32, #tpu.memory_space<vmem>>
    %dma_wait3A_103 = arith.constant 0 : i32
    %dma_wait3A_104 = arith.constant 0 : i32
    %dma_wait3A_105 = tpu.memref_slice %arg3[%dma_wait3A_103, %dma_wait3A_104] : memref<100000x64xbf16, #tpu.memory_space<hbm>> -> memref<100000x64xbf16, #tpu.memory_space<hbm>>
    tpu.wait_indirect_dma semaphore(%arg10 : memref<!tpu.dma_semaphore, #tpu.memory_space<semaphore_mem>>) src(%dma_wait3A_105 : memref<100000x64xbf16, #tpu.memory_space<hbm>>) dst(%dma_wait3A_99 : memref<128x64xbf16, #tpu.memory_space<vmem>>)
    %scan3A_106 = arith.constant 0 : i32
    %scan3A_107 = arith.constant 1 : i32
    %scan3A_108 = arith.constant 1 : i32
    %scan3A_109 = arith.constant 0 : i32
    %scan3A_110 = arith.constant 128 : i32
    %scan3A_111 = arith.addi %scan3A_109, %scan3A_110 : i32
    %scan3A_112 = arith.constant 2 : i32
    scf.for %scan3A_167 = %scan3A_109 to %scan3A_111 step %scan3A_112  : i32 {
      %get3A = arith.constant 0 : i32
      %get3A_168 = arith.constant 0 : i32
      %get3A_169 = tpu.memref_slice %arg6[%scan3A_107, %get3A, %get3A_168] : memref<2x128x64xbf16, #tpu.memory_space<vmem>> -> memref<1x128x64xbf16, #tpu.memory_space<vmem>>
      %get3A_170 = tpu.memref_squeeze %get3A_169 : memref<1x128x64xbf16, #tpu.memory_space<vmem>> -> memref<128x64xbf16, #tpu.memory_space<vmem>>
      %get3A_171 = arith.index_cast %scan3A_167 : i32 to index
      %get3A_172 = arith.constant 0 : index
      %get3A_173 = tpu.vector_load %get3A_170[%get3A_171, %get3A_172] {strides = array<i32>} : memref<128x64xbf16, #tpu.memory_space<vmem>>, vector<32xbf16>,
      %bitcast3A = vector.bitcast %get3A_173 : vector<32xbf16> to vector<16xi32>
      %shift_left3A = arith.constant 16 : i32
      %shift_left3A_174 = vector.broadcast %shift_left3A : i32 to vector<16xi32>
      %shift_left3A_175 = arith.shli %bitcast3A, %shift_left3A_174 : vector<16xi32>
      %bitcast3A_176 = vector.bitcast %shift_left3A_175 : vector<16xi32> to vector<16xf32>
      %and3A = arith.andi %bitcast3A, %broadcast_in_dim3A_5 : vector<16xi32>
      %bitcast3A_177 = vector.bitcast %and3A : vector<16xi32> to vector<16xf32>
      %swap3A = arith.constant 0 : i32
      %swap3A_178 = arith.constant 0 : i32
      %swap3A_179 = tpu.memref_slice %arg7[%scan3A_108, %swap3A, %swap3A_178] : memref<2x128x64xf32, #tpu.memory_space<vmem>> -> memref<1x128x64xf32, #tpu.memory_space<vmem>>
      %swap3A_180 = tpu.memref_squeeze %swap3A_179 : memref<1x128x64xf32, #tpu.memory_space<vmem>> -> memref<128x64xf32, #tpu.memory_space<vmem>>
      %swap3A_181 = arith.index_cast %scan3A_167 : i32 to index
      %swap3A_182 = arith.constant 0 : index
      %swap3A_183 = tpu.vector_load %swap3A_180[%swap3A_181, %swap3A_182] {strides = array<i32>} : memref<128x64xf32, #tpu.memory_space<vmem>>, vector<16xf32>,
      tpu.vector_store %swap3A_180[%swap3A_181, %swap3A_182], %bitcast3A_176 {strides = array<i32>} : memref<128x64xf32, #tpu.memory_space<vmem>>, vector<16xf32>,
      %swap3A_184 = arith.constant 0 : i32
      %swap3A_185 = arith.constant 0 : i32
      %swap3A_186 = tpu.memref_slice %arg7[%scan3A_108, %swap3A_184, %swap3A_185] : memref<2x128x64xf32, #tpu.memory_space<vmem>> -> memref<1x128x64xf32, #tpu.memory_space<vmem>>
      %swap3A_187 = tpu.memref_squeeze %swap3A_186 : memref<1x128x64xf32, #tpu.memory_space<vmem>> -> memref<128x64xf32, #tpu.memory_space<vmem>>
      %swap3A_188 = arith.index_cast %scan3A_167 : i32 to index
      %swap3A_189 = arith.constant 16 : index
      %swap3A_190 = tpu.vector_load %swap3A_187[%swap3A_188, %swap3A_189] {strides = array<i32>} : memref<128x64xf32, #tpu.memory_space<vmem>>, vector<16xf32>,
      tpu.vector_store %swap3A_187[%swap3A_188, %swap3A_189], %bitcast3A_177 {strides = array<i32>} : memref<128x64xf32, #tpu.memory_space<vmem>>, vector<16xf32>,
      %get3A_191 = arith.constant 0 : i32
      %get3A_192 = arith.constant 0 : i32
      %get3A_193 = tpu.memref_slice %arg6[%scan3A_107, %get3A_191, %get3A_192] : memref<2x128x64xbf16, #tpu.memory_space<vmem>> -> memref<1x128x64xbf16, #tpu.memory_space<vmem>>
      %get3A_194 = tpu.memref_squeeze %get3A_193 : memref<1x128x64xbf16, #tpu.memory_space<vmem>> -> memref<128x64xbf16, #tpu.memory_space<vmem>>
      %get3A_195 = arith.index_cast %scan3A_167 : i32 to index
      %get3A_196 = arith.constant 32 : index
      %get3A_197 = tpu.vector_load %get3A_194[%get3A_195, %get3A_196] {strides = array<i32>} : memref<128x64xbf16, #tpu.memory_space<vmem>>, vector<32xbf16>,
      %bitcast3A_198 = vector.bitcast %get3A_197 : vector<32xbf16> to vector<16xi32>
      %shift_left3A_199 = arith.constant 16 : i32
      %shift_left3A_200 = vector.broadcast %shift_left3A_199 : i32 to vector<16xi32>
      %shift_left3A_201 = arith.shli %bitcast3A_198, %shift_left3A_200 : vector<16xi32>
      %bitcast3A_202 = vector.bitcast %shift_left3A_201 : vector<16xi32> to vector<16xf32>
      %and3A_203 = arith.andi %bitcast3A_198, %broadcast_in_dim3A_5 : vector<16xi32>
      %bitcast3A_204 = vector.bitcast %and3A_203 : vector<16xi32> to vector<16xf32>
      %swap3A_205 = arith.constant 0 : i32
      %swap3A_206 = arith.constant 0 : i32
      %swap3A_207 = tpu.memref_slice %arg7[%scan3A_108, %swap3A_205, %swap3A_206] : memref<2x128x64xf32, #tpu.memory_space<vmem>> -> memref<1x128x64xf32, #tpu.memory_space<vmem>>
      %swap3A_208 = tpu.memref_squeeze %swap3A_207 : memref<1x128x64xf32, #tpu.memory_space<vmem>> -> memref<128x64xf32, #tpu.memory_space<vmem>>
      %swap3A_209 = arith.index_cast %scan3A_167 : i32 to index
      %swap3A_210 = arith.constant 32 : index
      %swap3A_211 = tpu.vector_load %swap3A_208[%swap3A_209, %swap3A_210] {strides = array<i32>} : memref<128x64xf32, #tpu.memory_space<vmem>>, vector<16xf32>,
      tpu.vector_store %swap3A_208[%swap3A_209, %swap3A_210], %bitcast3A_202 {strides = array<i32>} : memref<128x64xf32, #tpu.memory_space<vmem>>, vector<16xf32>,
      %swap3A_212 = arith.constant 0 : i32
      %swap3A_213 = arith.constant 0 : i32
      %swap3A_214 = tpu.memref_slice %arg7[%scan3A_108, %swap3A_212, %swap3A_213] : memref<2x128x64xf32, #tpu.memory_space<vmem>> -> memref<1x128x64xf32, #tpu.memory_space<vmem>>
      %swap3A_215 = tpu.memref_squeeze %swap3A_214 : memref<1x128x64xf32, #tpu.memory_space<vmem>> -> memref<128x64xf32, #tpu.memory_space<vmem>>
      %swap3A_216 = arith.index_cast %scan3A_167 : i32 to index
      %swap3A_217 = arith.constant 48 : index
      %swap3A_218 = tpu.vector_load %swap3A_215[%swap3A_216, %swap3A_217] {strides = array<i32>} : memref<128x64xf32, #tpu.memory_space<vmem>>, vector<16xf32>,
      tpu.vector_store %swap3A_215[%swap3A_216, %swap3A_217], %bitcast3A_204 {strides = array<i32>} : memref<128x64xf32, #tpu.memory_space<vmem>>, vector<16xf32>,
      %scan3A_219 = arith.constant 1 : i32
      %scan3A_220 = arith.addi %scan3A_167, %scan3A_219 : i32
      %get3A_221 = arith.constant 0 : i32
      %get3A_222 = arith.constant 0 : i32
      %get3A_223 = tpu.memref_slice %arg6[%scan3A_107, %get3A_221, %get3A_222] : memref<2x128x64xbf16, #tpu.memory_space<vmem>> -> memref<1x128x64xbf16, #tpu.memory_space<vmem>>
      %get3A_224 = tpu.memref_squeeze %get3A_223 : memref<1x128x64xbf16, #tpu.memory_space<vmem>> -> memref<128x64xbf16, #tpu.memory_space<vmem>>
      %get3A_225 = arith.index_cast %scan3A_220 : i32 to index
      %get3A_226 = arith.constant 0 : index
      %get3A_227 = tpu.vector_load %get3A_224[%get3A_225, %get3A_226] {strides = array<i32>} : memref<128x64xbf16, #tpu.memory_space<vmem>>, vector<32xbf16>,
      %bitcast3A_228 = vector.bitcast %get3A_227 : vector<32xbf16> to vector<16xi32>
      %shift_left3A_229 = arith.constant 16 : i32
      %shift_left3A_230 = vector.broadcast %shift_left3A_229 : i32 to vector<16xi32>
      %shift_left3A_231 = arith.shli %bitcast3A_228, %shift_left3A_230 : vector<16xi32>
      %bitcast3A_232 = vector.bitcast %shift_left3A_231 : vector<16xi32> to vector<16xf32>
      %and3A_233 = arith.andi %bitcast3A_228, %broadcast_in_dim3A_5 : vector<16xi32>
      %bitcast3A_234 = vector.bitcast %and3A_233 : vector<16xi32> to vector<16xf32>
      %swap3A_235 = arith.constant 0 : i32
      %swap3A_236 = arith.constant 0 : i32
      %swap3A_237 = tpu.memref_slice %arg7[%scan3A_108, %swap3A_235, %swap3A_236] : memref<2x128x64xf32, #tpu.memory_space<vmem>> -> memref<1x128x64xf32, #tpu.memory_space<vmem>>
      %swap3A_238 = tpu.memref_squeeze %swap3A_237 : memref<1x128x64xf32, #tpu.memory_space<vmem>> -> memref<128x64xf32, #tpu.memory_space<vmem>>
      %swap3A_239 = arith.index_cast %scan3A_220 : i32 to index
      %swap3A_240 = arith.constant 0 : index
      %swap3A_241 = tpu.vector_load %swap3A_238[%swap3A_239, %swap3A_240] {strides = array<i32>} : memref<128x64xf32, #tpu.memory_space<vmem>>, vector<16xf32>,
      tpu.vector_store %swap3A_238[%swap3A_239, %swap3A_240], %bitcast3A_232 {strides = array<i32>} : memref<128x64xf32, #tpu.memory_space<vmem>>, vector<16xf32>,
      %swap3A_242 = arith.constant 0 : i32
      %swap3A_243 = arith.constant 0 : i32
      %swap3A_244 = tpu.memref_slice %arg7[%scan3A_108, %swap3A_242, %swap3A_243] : memref<2x128x64xf32, #tpu.memory_space<vmem>> -> memref<1x128x64xf32, #tpu.memory_space<vmem>>
      %swap3A_245 = tpu.memref_squeeze %swap3A_244 : memref<1x128x64xf32, #tpu.memory_space<vmem>> -> memref<128x64xf32, #tpu.memory_space<vmem>>
      %swap3A_246 = arith.index_cast %scan3A_220 : i32 to index
      %swap3A_247 = arith.constant 16 : index
      %swap3A_248 = tpu.vector_load %swap3A_245[%swap3A_246, %swap3A_247] {strides = array<i32>} : memref<128x64xf32, #tpu.memory_space<vmem>>, vector<16xf32>,
      tpu.vector_store %swap3A_245[%swap3A_246, %swap3A_247], %bitcast3A_234 {strides = array<i32>} : memref<128x64xf32, #tpu.memory_space<vmem>>, vector<16xf32>,
      %get3A_249 = arith.constant 0 : i32
      %get3A_250 = arith.constant 0 : i32
      %get3A_251 = tpu.memref_slice %arg6[%scan3A_107, %get3A_249, %get3A_250] : memref<2x128x64xbf16, #tpu.memory_space<vmem>> -> memref<1x128x64xbf16, #tpu.memory_space<vmem>>
      %get3A_252 = tpu.memref_squeeze %get3A_251 : memref<1x128x64xbf16, #tpu.memory_space<vmem>> -> memref<128x64xbf16, #tpu.memory_space<vmem>>
      %get3A_253 = arith.index_cast %scan3A_220 : i32 to index
      %get3A_254 = arith.constant 32 : index
      %get3A_255 = tpu.vector_load %get3A_252[%get3A_253, %get3A_254] {strides = array<i32>} : memref<128x64xbf16, #tpu.memory_space<vmem>>, vector<32xbf16>,
      %bitcast3A_256 = vector.bitcast %get3A_255 : vector<32xbf16> to vector<16xi32>
      %shift_left3A_257 = arith.constant 16 : i32
      %shift_left3A_258 = vector.broadcast %shift_left3A_257 : i32 to vector<16xi32>
      %shift_left3A_259 = arith.shli %bitcast3A_256, %shift_left3A_258 : vector<16xi32>
      %bitcast3A_260 = vector.bitcast %shift_left3A_259 : vector<16xi32> to vector<16xf32>
      %and3A_261 = arith.andi %bitcast3A_256, %broadcast_in_dim3A_5 : vector<16xi32>
      %bitcast3A_262 = vector.bitcast %and3A_261 : vector<16xi32> to vector<16xf32>
      %swap3A_263 = arith.constant 0 : i32
      %swap3A_264 = arith.constant 0 : i32
      %swap3A_265 = tpu.memref_slice %arg7[%scan3A_108, %swap3A_263, %swap3A_264] : memref<2x128x64xf32, #tpu.memory_space<vmem>> -> memref<1x128x64xf32, #tpu.memory_space<vmem>>
      %swap3A_266 = tpu.memref_squeeze %swap3A_265 : memref<1x128x64xf32, #tpu.memory_space<vmem>> -> memref<128x64xf32, #tpu.memory_space<vmem>>
      %swap3A_267 = arith.index_cast %scan3A_220 : i32 to index
      %swap3A_268 = arith.constant 32 : index
      %swap3A_269 = tpu.vector_load %swap3A_266[%swap3A_267, %swap3A_268] {strides = array<i32>} : memref<128x64xf32, #tpu.memory_space<vmem>>, vector<16xf32>,
      tpu.vector_store %swap3A_266[%swap3A_267, %swap3A_268], %bitcast3A_260 {strides = array<i32>} : memref<128x64xf32, #tpu.memory_space<vmem>>, vector<16xf32>,
      %swap3A_270 = arith.constant 0 : i32
      %swap3A_271 = arith.constant 0 : i32
      %swap3A_272 = tpu.memref_slice %arg7[%scan3A_108, %swap3A_270, %swap3A_271] : memref<2x128x64xf32, #tpu.memory_space<vmem>> -> memref<1x128x64xf32, #tpu.memory_space<vmem>>
      %swap3A_273 = tpu.memref_squeeze %swap3A_272 : memref<1x128x64xf32, #tpu.memory_space<vmem>> -> memref<128x64xf32, #tpu.memory_space<vmem>>
      %swap3A_274 = arith.index_cast %scan3A_220 : i32 to index
      %swap3A_275 = arith.constant 48 : index
      %swap3A_276 = tpu.vector_load %swap3A_273[%swap3A_274, %swap3A_275] {strides = array<i32>} : memref<128x64xf32, #tpu.memory_space<vmem>>, vector<16xf32>,
      tpu.vector_store %swap3A_273[%swap3A_274, %swap3A_275], %bitcast3A_262 {strides = array<i32>} : memref<128x64xf32, #tpu.memory_space<vmem>>, vector<16xf32>,
    }
    %scan3A_113 = arith.constant 128 : i32
    %mul3A_114 = arith.constant 6400 : i32
    %mul3A_115 = arith.muli %add3A, %mul3A_114 : i32
    %add3A_116 = arith.constant 6272 : i32
    %add3A_117 = arith.addi %mul3A_115, %add3A_116 : i32
    %multiple_of3A_118 = tpu.assume_multiple %add3A_117, 128 : i32
    %dma_start3A = arith.constant 1 : i32
    %dma_start3A_119 = arith.constant 0 : i32
    %dma_start3A_120 = arith.constant 0 : i32
    %dma_start3A_121 = tpu.memref_slice %arg7[%dma_start3A, %dma_start3A_119, %dma_start3A_120] : memref<2x128x64xf32, #tpu.memory_space<vmem>> -> memref<1x128x64xf32, #tpu.memory_space<vmem>>
    %dma_start3A_122 = tpu.memref_squeeze %dma_start3A_121 : memref<1x128x64xf32, #tpu.memory_space<vmem>> -> memref<128x64xf32, #tpu.memory_space<vmem>>
    %dma_start3A_123 = arith.constant 0 : i32
    %dma_start3A_124 = tpu.memref_slice %arg4[%multiple_of3A_118, %dma_start3A_123] : memref<204800x64xf32, #tpu.memory_space<hbm>> -> memref<128x64xf32, #tpu.memory_space<hbm>>
    %dma_start3A_125 = arith.constant 0 : i32
    %dma_start3A_126 = tpu.memref_slice %arg4[%multiple_of3A_118, %dma_start3A_125] : memref<204800x64xf32, #tpu.memory_space<hbm>> -> memref<128x64xf32, #tpu.memory_space<hbm>>
    %dma_start3A_127 = arith.constant 0 : i32
    %dma_start3A_128 = arith.constant 0 : i32
    %dma_start3A_129 = tpu.memref_slice %arg7[%dma_start3A, %dma_start3A_127, %dma_start3A_128] : memref<2x128x64xf32, #tpu.memory_space<vmem>> -> memref<1x128x64xf32, #tpu.memory_space<vmem>>
    %dma_start3A_130 = tpu.memref_squeeze %dma_start3A_129 : memref<1x128x64xf32, #tpu.memory_space<vmem>> -> memref<128x64xf32, #tpu.memory_space<vmem>>
    tpu.enqueue_dma source(%dma_start3A_130 : memref<128x64xf32, #tpu.memory_space<vmem>>) target(%dma_start3A_126 : memref<128x64xf32, #tpu.memory_space<hbm>>) target_semaphore(%arg12 : memref<!tpu.dma_semaphore, #tpu.memory_space<semaphore_mem>>)
    %mul3A_131 = arith.constant 6400 : i32
    %mul3A_132 = arith.muli %add3A, %mul3A_131 : i32
    %add3A_133 = arith.constant 6144 : i32
    %add3A_134 = arith.addi %mul3A_132, %add3A_133 : i32
    %multiple_of3A_135 = tpu.assume_multiple %add3A_134, 128 : i32
    %dma_wait3A_136 = arith.constant 0 : i32
    %dma_wait3A_137 = arith.constant 0 : i32
    %dma_wait3A_138 = arith.constant 0 : i32
    %dma_wait3A_139 = tpu.memref_slice %arg7[%dma_wait3A_136, %dma_wait3A_137, %dma_wait3A_138] : memref<2x128x64xf32, #tpu.memory_space<vmem>> -> memref<1x128x64xf32, #tpu.memory_space<vmem>>
    %dma_wait3A_140 = tpu.memref_squeeze %dma_wait3A_139 : memref<1x128x64xf32, #tpu.memory_space<vmem>> -> memref<128x64xf32, #tpu.memory_space<vmem>>
    %dma_wait3A_141 = arith.constant 0 : i32
    %dma_wait3A_142 = tpu.memref_slice %arg4[%multiple_of3A_135, %dma_wait3A_141] : memref<204800x64xf32, #tpu.memory_space<hbm>> -> memref<128x64xf32, #tpu.memory_space<hbm>>
    %dma_wait3A_143 = arith.constant 0 : i32
    %dma_wait3A_144 = tpu.memref_slice %arg4[%multiple_of3A_135, %dma_wait3A_143] : memref<204800x64xf32, #tpu.memory_space<hbm>> -> memref<128x64xf32, #tpu.memory_space<hbm>>
    %dma_wait3A_145 = arith.constant 0 : i32
    %dma_wait3A_146 = arith.constant 0 : i32
    %dma_wait3A_147 = tpu.memref_slice %arg7[%dma_wait3A_136, %dma_wait3A_145, %dma_wait3A_146] : memref<2x128x64xf32, #tpu.memory_space<vmem>> -> memref<1x128x64xf32, #tpu.memory_space<vmem>>
    %dma_wait3A_148 = tpu.memref_squeeze %dma_wait3A_147 : memref<1x128x64xf32, #tpu.memory_space<vmem>> -> memref<128x64xf32, #tpu.memory_space<vmem>>
    tpu.wait_dma2 semaphore(%arg11 : memref<!tpu.dma_semaphore, #tpu.memory_space<semaphore_mem>>) src(%dma_wait3A_148 : memref<128x64xf32, #tpu.memory_space<vmem>>) dst(%dma_wait3A_144 : memref<128x64xf32, #tpu.memory_space<hbm>>)
    %mul3A_149 = arith.constant 6400 : i32
    %mul3A_150 = arith.muli %add3A, %mul3A_149 : i32
    %add3A_151 = arith.constant 6272 : i32
    %add3A_152 = arith.addi %mul3A_150, %add3A_151 : i32
    %multiple_of3A_153 = tpu.assume_multiple %add3A_152, 128 : i32
    %dma_wait3A_154 = arith.constant 1 : i32
    %dma_wait3A_155 = arith.constant 0 : i32
    %dma_wait3A_156 = arith.constant 0 : i32
    %dma_wait3A_157 = tpu.memref_slice %arg7[%dma_wait3A_154, %dma_wait3A_155, %dma_wait3A_156] : memref<2x128x64xf32, #tpu.memory_space<vmem>> -> memref<1x128x64xf32, #tpu.memory_space<vmem>>
    %dma_wait3A_158 = tpu.memref_squeeze %dma_wait3A_157 : memref<1x128x64xf32, #tpu.memory_space<vmem>> -> memref<128x64xf32, #tpu.memory_space<vmem>>
    %dma_wait3A_159 = arith.constant 0 : i32
    %dma_wait3A_160 = tpu.memref_slice %arg4[%multiple_of3A_153, %dma_wait3A_159] : memref<204800x64xf32, #tpu.memory_space<hbm>> -> memref<128x64xf32, #tpu.memory_space<hbm>>
    %dma_wait3A_161 = arith.constant 0 : i32
    %dma_wait3A_162 = tpu.memref_slice %arg4[%multiple_of3A_153, %dma_wait3A_161] : memref<204800x64xf32, #tpu.memory_space<hbm>> -> memref<128x64xf32, #tpu.memory_space<hbm>>
    %dma_wait3A_163 = arith.constant 0 : i32
    %dma_wait3A_164 = arith.constant 0 : i32
    %dma_wait3A_165 = tpu.memref_slice %arg7[%dma_wait3A_154, %dma_wait3A_163, %dma_wait3A_164] : memref<2x128x64xf32, #tpu.memory_space<vmem>> -> memref<1x128x64xf32, #tpu.memory_space<vmem>>
    %dma_wait3A_166 = tpu.memref_squeeze %dma_wait3A_165 : memref<1x128x64xf32, #tpu.memory_space<vmem>> -> memref<128x64xf32, #tpu.memory_space<vmem>>
    tpu.wait_dma2 semaphore(%arg12 : memref<!tpu.dma_semaphore, #tpu.memory_space<semaphore_mem>>) src(%dma_wait3A_166 : memref<128x64xf32, #tpu.memory_space<vmem>>) dst(%dma_wait3A_162 : memref<128x64xf32, #tpu.memory_space<hbm>>)
    return
  }
}

</mosaic_0001>

<sc_bundles>
// kernel: kernel.3.cloned.1.call-start
scs
__scs_entry_jumppad:
0x0: {  	(pc) =	sbr.rel $0x88, $3  }
0x1: {  	(tag) =	ssettag $0x0;
	lr =	simm.s32 $0x1  }
0x2: {  	[smem:$0x3F9F] =	sst lr;
	_ =	strace $0xD0000000  }
0x3: {  	_ = 	snop  }
0x4: {  	_ = 	snop  }
0x5: {  	_ = 	snop  }
0x6: {  	_ = 	snop  }
0x7: {  	_ = 	snop  }
__scs_overlays_trampoline_lowered:
0x8: {  	[smem:$0x3FAE] =	sst s0  }
0x9: {  	[smem:$0x3FAF] =	sst s1  }
0xa: {  	[smem:$0x3FB0] =	sst s2  }
0xb: {  	[smem:$0x3FB1] =	sst s3  }
0xc: {  	[smem:$0x3FB2] =	sst s4  }
0xd: {  	[smem:$0x3FB3] =	sst s5  }
0xe: {  	[smem:$0x3FB4] =	sst s6  }
0xf: {  	[smem:$0x3FB5] =	sst s7  }
0x10: {  	[smem:$0x3FB6] =	sst s8  }
0x11: {  	[smem:$0x3FB7] =	sst s9;
	s0 =	simm.s32 @!p0 $0x0  }
0x12: {  	s1 =	sld [smem:$0x3F9D];
	s0 =	simm.s32 @p0 $0x1  }
0x13: {  	[smem:$0x3FB8] =	sst s0;
	s0 =	simm.s32 @!p1 $0x0  }
0x14: {  	s2 =	sld [smem:$0x3F9C];
	s0 =	simm.s32 @p1 $0x1  }
0x15: {  	[smem:$0x3FB9] =	sst s0;
	s0 =	simm.s32 @!p2 $0x0  }
0x16: {  	s3 =	sld [smem:$0x3FDB];
	s0 =	simm.s32 @p2 $0x1  }
0x17: {  	s4 =	simm.s32 $0x1BF5;
	[smem:$0x3FBB] =	sst s0  }
0x18: {  	s0 =	sld [smem:$0x3F9E];
	_ =	swait.ge [sflag:s4], $0x0  }
0x19: {  	s7 =	sld [smem:$0x3F9F]  }
0x1a: {  	s8 =	sadd.s32 $0xFFFFE003, lr  }
0x1b: {  	s9 =	sadd.s32 $0xFFFFFEF7, lr;
	s5 =	simm.s32 $0xFFFFFFFF;
	p2 =	slt.u32 s8, $0xFFFFF086  }
0x1c: {  	p1 =	slt.u32 s9, $0xF7A;
	s5 =	simm.s32 @!p2 $0x0  }
0x1d: {  	s5 =	simm.s32 @p1 $0x1;
	p0 =	seq.s32 s7, s2  }
0x1e: {  	s7 =	smul.u32 @!p0 $0xF7A, s2;
	p2 =	seq.s32 @!p0 s5, $0x0  }
0x1f: {  	s9 =	smul.u32 $0xF7A, s1;
	s8 =	simm.s32 @!p0 $0x1BF5;
	p2 =	por !p2, p0  }
0x20: {  	[sflag:s8] =	ssyncset.s32 @!p0 $0xFFFFF086;
	s6 =	sadd.s32 @!p0 s3, s7;
	s7 =	simm.s32 @!p0 $0x108  }
0x21: {  	s3 =	sadd.s32 s3, s9;
	s6 =	sadd.s32 @!p0 $0x88, s6;
	s7 =	simm.s32 @p2 $0x1082  }
0x22: {  	[simem:s7], [sflag:s8] =	dma.local @!p0 [hbm:s6], $0xF7A  }
0x23: {  	s9 =	sor.u32 $0xD0000000, s2;
	s6 =	simm.s32 $0x108;
	_ =	swait.ge @!p0 [sflag:s8], $0x0  }
0x24: {  	s3 =	sadd.s32 $0x88, s3;
	s6 =	simm.s32 @!p1 $0x1082;
	[sflag:s4] =	ssyncset.s32 $0xFFFFF086  }
0x25: {  	[simem:s6], [sflag:s4] =	dma.local [hbm:s3], $0xF7A  }
0x26: {  	[smem:$0x3F9F] =	sst s1;
	(tag) =	ssettag s2;
	_ =	strace s9  }
0x27: {  	s1 =	sld [smem:$0x3FAF]  }
0x28: {  	s2 =	sld [smem:$0x3FB0]  }
0x29: {  	s4 =	sld [smem:$0x3FB2]  }
0x2a: {  	p0 =	seq.s32 s5, $0x0;
	s5 =	sld [smem:$0x3FB3]  }
0x2b: {  	s6 =	sld [smem:$0x3FB4]  }
0x2c: {  	s7 =	sld [smem:$0x3FB5]  }
0x2d: {  	s3 =	simm.s32 $0x108;
	s8 =	sld [smem:$0x3FB6]  }
0x2e: {  	s3 =	simm.s32 @!p0 $0x1082;
	s9 =	sld [smem:$0x3FB7]  }
0x2f: {  	lr =	sadd.s32 s0, s3;
	s0 =	sld [smem:$0x3FAE]  }
0x30: {  	s3 =	sld [smem:$0x3FB1]  }
0x31: {  	[smem:$0x3FBA] =	sst s10  }
0x32: {  	s10 =	sld [smem:$0x3FB8];
	_ =	sdelay $0x3  }
0x33: {  	p0 =	seq.s32 s10, $0x1;
	s10 =	sld [smem:$0x3FBA];
	_ =	sdelay $0x3  }
0x34: {  	[smem:$0x3FBA] =	sst s10  }
0x35: {  	s10 =	sld [smem:$0x3FB9];
	_ =	sdelay $0x3  }
0x36: {  	p1 =	seq.s32 s10, $0x1;
	s10 =	sld [smem:$0x3FBA];
	_ =	sdelay $0x3  }
0x37: {  	[smem:$0x3FBA] =	sst s10  }
0x38: {  	s10 =	sld [smem:$0x3FBB]  }
0x39: {  	_ = 	snop;
	(pc) =	sbr.ind lr, $3  }
0x3a: {  	_ = 	snop  }
0x3b: {  	_ = 	snop  }
0x3c: {  	p2 =	seq.s32 s10, $0x1;
	s10 =	sld [smem:$0x3FBA]  }
0x3d: {  	_ =	shalt  }
0x3e: {  	_ =	shalt  }
0x3f: {  	_ =	shalt  }
0x40: {  	_ =	shalt  }
0x41: {  	_ =	shalt  }
0x42: {  	_ =	shalt  }
0x43: {  	_ =	shalt  }
0x44: {  	_ =	shalt  }
0x45: {  	_ =	shalt  }
0x46: {  	_ =	shalt  }
0x47: {  	_ =	shalt  }
0x48: {  	_ =	shalt  }
0x49: {  	_ =	shalt  }
0x4a: {  	_ =	shalt  }
0x4b: {  	_ =	shalt  }
0x4c: {  	_ =	shalt  }
0x4d: {  	_ =	shalt  }
0x4e: {  	_ =	shalt  }
0x4f: {  	_ =	shalt  }
0x50: {  	_ =	shalt  }
0x51: {  	_ =	shalt  }
0x52: {  	_ =	shalt  }
0x53: {  	_ =	shalt  }
0x54: {  	_ =	shalt  }
0x55: {  	_ =	shalt  }
0x56: {  	_ =	shalt  }
0x57: {  	_ =	shalt  }
0x58: {  	_ =	shalt  }
0x59: {  	_ =	shalt  }
0x5a: {  	_ =	shalt  }
0x5b: {  	_ =	shalt  }
0x5c: {  	_ =	shalt  }
0x5d: {  	_ =	shalt  }
0x5e: {  	_ =	shalt  }
0x5f: {  	_ =	shalt  }
0x60: {  	_ =	shalt  }
0x61: {  	_ =	shalt  }
0x62: {  	_ =	shalt  }
0x63: {  	_ =	shalt  }
0x64: {  	_ =	shalt  }
0x65: {  	_ =	shalt  }
0x66: {  	_ =	shalt  }
0x67: {  	_ =	shalt  }
0x68: {  	_ =	shalt  }
0x69: {  	_ =	shalt  }
0x6a: {  	_ =	shalt  }
0x6b: {  	_ =	shalt  }
0x6c: {  	_ =	shalt  }
0x6d: {  	_ =	shalt  }
0x6e: {  	_ =	shalt  }
0x6f: {  	_ =	shalt  }
0x70: {  	_ =	shalt  }
0x71: {  	_ =	shalt  }
0x72: {  	_ =	shalt  }
0x73: {  	_ =	shalt  }
0x74: {  	_ =	shalt  }
0x75: {  	_ =	shalt  }
0x76: {  	_ =	shalt  }
0x77: {  	_ =	shalt  }
0x78: {  	_ =	shalt  }
0x79: {  	_ =	shalt  }
0x7a: {  	_ =	shalt  }
0x7b: {  	_ =	shalt  }
0x7c: {  	_ =	shalt  }
0x7d: {  	_ =	shalt  }
0x7e: {  	_ =	shalt  }
0x7f: {  	_ =	shalt  }
0x80: {  	_ =	shalt  }
0x81: {  	_ =	shalt  }
0x82: {  	_ =	shalt  }
0x83: {  	_ =	shalt  }
0x84: {  	_ =	shalt  }
0x85: {  	_ =	shalt  }
0x86: {  	_ =	shalt  }
0x87: {  	_ =	shalt  }
.Lfunc_end0:
.L_simem_size_0:
called_computation.1_lowered:
.L_overlay_start_0:
0x88: {  	s2 =	sld [smem:$0x3FD9]  }
0x89: {  	s3 =	sld [smem:$0x3FFE];
	_ =	sdelay $0x1  }
0x8a: {  	s1 =	srdreg.scid  }
0x8b: {  	s0 =	sand.u32 $0x1, s1  }
0x8c: {  	s17 =	sshll.u32 s0, $0xA;
	s2 =	sadd.s32 s3, s2  }
0x8d: {  	s2 =	sadd.s32 s2, s17  }
0x8e: {  	[smem:$0x3FC6] =	sst s2  }
0x8f: {  	_ = 	snop  }
0x90: {  	s2 =	sld [smem:$0x3FD0];
	(tm) =	ssettm $0x1  }
0x91: {  	s18 =	sld [smem:$0x3FFB];
	_ =	sdelay $0x3  }
0x92: {  	_ =	strace s18  }
0x93: {  	s3 =	sld [smem:$0x3FFC];
	_ =	sdelay $0x3  }
0x94: {  	_ =	strace s3  }
0x95: {  	s3 =	sld [smem:$0x3FFD];
	_ =	sdelay $0x3  }
0x96: {  	_ =	strace s3  }
0x97: {  	_ =	strace $0x8FFFFFFF  }
0x98: {  	s19 =	sld [smem:$0x3FDB];
	_ =	sdelay $0x1  }
0x99: {  	s4 =	simm.s32 $_scs_section_size  }
0x9a: {  	s5 =	simm.s32 $_size__tile_overlayer_lowered;
	s6 =	simm.s32 $_tile_overlayer_lowered  }
0x9b: {  	s22 =	simm.s32 $0x1BFF;
	s21 =	sshll.u32 s6, $0x1;
	s3 =	sadd.s32 s4, s19  }
0x9c: {  	s7 =	simm.s32 $0x0;
	s20 =	sshll.u32 s5, $0x1;
	s5 =	sadd.s32 s21, s3  }
0x9d: {  	[timem:s7], [sflag:s22] =	dma.local [hbm:s5], s20  }
0x9e: {  	_ =	swait.ge [sflag:s22], s20  }
0x9f: {  	s4 =	ssub.s32 $0x0, s20;
	[sflag:s22] =	ssyncset.done $0x0  }
0xa0: {  	[sflag:s22] =	ssyncadd.s32 s4;
	_ =	sdelay $0x1  }
0xa1: {  	s23 =	simm.s32 $0x1B8B  }
0xa2: {  	_ =	swait.ge [sflag:s23], $0x1  }
0xa3: {  	[sflag:s23] =	ssyncset.done $0x0  }
0xa4: {  	s25 =	simm.s32 $0x1B8E;
	s24 =	sld [smem:$0x3FFE];
	[sflag:s23] =	ssyncadd.s32 $0xFFFFFFFF  }
0xa5: {  	s26 =	simm.s32 $execute0_lowered;
	[smem:$0x3FD2] =	sst s25  }
0xa6: {  	s5 =	sshll.u32 s26, $0x1;
	_ =	strace $0x80000046;
	[dreg:$0x1] =	wrdreg $0xFFFFFFFF  }
0xa7: {  	s28 =	simm.s32 $_size_execute0_lowered;
	s3 =	sadd.s32 s3, s5;
	[dreg:$0x0] =	wrdreg $0x0  }
0xa8: {  	s5 =	sshll.u32 s28, $0x1;
	[dreg:$0x2] =	wrdreg s3  }
0xa9: {  	[dreg:$0x3] =	wrdreg s5  }
0xaa: {  	[dreg:$0x4] =	wrdreg $0xC0  }
0xab: {  	_ =	task [dreg:s7], $0x5FFFF  }
0xac: {  	[dreg:$0x1] =	wrdreg $0xFFFFFFFF  }
0xad: {  	[dreg:$0x0] =	wrdreg $0x60  }
0xae: {  	[dreg:$0x2] =	wrdreg s24  }
0xaf: {  	[dreg:$0x3] =	wrdreg s2  }
0xb0: {  	[dreg:$0x4] =	wrdreg $0x9  }
0xb1: {  	_ =	task.clear_ibuf [dreg:s7], $0x5FFFF;
	_ =	strace $0x90000046  }
0xb2: {  	s29 =	simm.s32 $0x9;
	_ =	strace $0x80000048  }
0xb3: {  	_ =	swait.ge [sflag:s29], $0x1  }
0xb4: {  	[sflag:s29] =	ssyncadd.s32 $0xFFFFFFFF  }
0xb5: {  	_ =	strace $0x90000048  }
0xb6: {  	_ =	sfence  }
0xb7: {  	s30 =	sld [smem:$0x0];
	_ =	sdelay $0x2  }
0xb8: {  	s31 =	sshll.u32 s1, $0xD;
	s1 =	sshrl.u32 s1, $0x2  }
0xb9: {  	s3 =	sand.u32 $0x4000, s31;
	s1 =	sadd.s32 s1, s30  }
0xba: {  	s0 =	sor.u32 s3, s0;
	s1 =	sshll.u32 s1, $0x11  }
0xbb: {  	s0 =	sor.u32 s1, s0  }
0xbc: {  	s0 =	sadd.s32 $0x8F2B, s0  }
0xbd: {  	[sflag:s0] =	ssyncadd.remote.s32 $0x1  }
0xbe: {  	_ =	sfence.sel $0xFFFF  }
0xbf: {  	[dreg:$0x0] =	wrdreg $0xFFFFFFFF;
	(pc) =	sbr.abs _section_cstart, $3  }
0xc0: {  	[dreg:$0x1] =	wrdreg $0xFFFFFFFF  }
0xc1: {  	_ =	task.clear_ibuf [dreg:s7], $0x2FFFF;
	_ =	strace $0x9FFFFFFF  }
0xc2: {  	(tm) =	ssettm $0x7FFFFFFF  }
0xc3: {  	_ =	shalt  }
tec
execute0_lowered:
.L_overlay_start_1:
0x0: {  	(tag) =	ssettag $0x1  }
0x1: {  	s1 =	srdreg.scid  }
0x2: {  	s0 =	stileid.u32;
	s5 =	rddreg [dreg:$0x0]  }
0x3: {  	s2 =	rddreg [dreg:$0x1];
	s3 =	simm.s32 $0x0;
	s12 =	simm.s32 $0xC800  }
0x4: {  	s13 =	simm.s32 $0xD800;
	s14 =	simm.s32 $0x1;
	s15 =	simm.s32 $0xE800  }
0x5: {  	s16 =	simm.s32 $0x2;
	s17 =	simm.s32 $0x10800;
	s18 =	simm.s32 $0x3  }
0x6: {  	s19 =	simm.s32 $0x4;
	s6 =	sand.u32 $0x1, s1;
	s31 =	sshll.u32 s0, $0x1  }
0x7: {  	s20 =	simm.s32 $0x0;
	s1 =	rddreg [dreg:$0x2];
	s7 =	sor.u32 s6, s31  }
0x8: {  	[smem:$0x7FF] =	sst s3;
	s6 =	ssub.s32 $0x2, s6;
	s4 =	smul.u32 $0x64000, s7  }
0x9: {  	_ =	strace $0x80000047;
	s8 =	smul.u32 $0x1900, s7;
	s9 =	sshrl.u32 s6, $0x1  }
0xa: {  	s11 =	smul.u32 $0xC800, s7;
	s9 =	ssub.s32 s6, s9;
	s10 =	sshrl.u32 s4, $0x3  }
0xb: {  	s8 =	sadd.s32 s8, s5;
	s5 =	sadd.s32 $0x1800, s5;
	s10 =	sadd.s32 s2, s10  }
0xc: {  	s6 =	sadd.s32 $0x63400, s8;
	s8 =	smax.u32 s9, $0x1;
	s9 =	sadd.s32 $0x1FFFFC00, s11  }
0xd: {  	v0 =	vimm.bf16 $0.0e+00;
	s11 =	simm.s32 $0x80;
	s7 =	sadd.s32 $0xC400, s10;
	s10 =	simm.s32 $0x5  }
.LBB2_1:
0xe: {  	[tilespmem:s3], [sflag:$0x5] =	stream.linear.gather [hbm4b:s6+s3], $0xC800, $0x38;
	[tilespmem:$0x12800] =	vst v63  }
0xf: {  	_ =	swait.ge [sflag:s10], $0xC800  }
0x10: {  	[sflag:s10] =	ssyncset.done $0x0  }
0x11: {  	s21 =	simm.s32 $0x0;
	[sflag:s10] =	ssyncadd.s32 $0xFFFF3800  }
.LBB2_2:
0x12: {  	p0 =	seq.s32 s21, $0x0  }
0x13: {  	s22 =	simm.s32 @!p0 $0x3  }
0x14: {  	_ =	swait.ge @!p0 [sflag:s22], $0x2000  }
0x15: {  	[sflag:s22] =	ssyncset.done @!p0 $0x0  }
0x16: {  	s23 =	simm.s32 $0xC840;
	[sflag:s22] =	ssyncadd.s32 @!p0 $0xFFFFE000  }
0x17: {  	[tilespmem:s23+$0xFFFFFFC0] =	vst v0  }
0x18: {  	[tilespmem:s23+$0x30] =	vst v0  }
0x19: {  	[tilespmem:s23+$0x20] =	vst v0  }
0x1a: {  	[tilespmem:s23+$0x10] =	vst v0  }
0x1b: {  	[tilespmem:s23+$0x0] =	vst v0  }
0x1c: {  	[tilespmem:s23+$0xFFFFFFF0] =	vst v0  }
0x1d: {  	s24 =	simm.s32 $0x0;
	s22 =	sshll.u32 s21, $0xD;
	[tilespmem:s23+$0xFFFFFFE0] =	vst v0  }
.LBB2_3:
0x1e: {  	s24 =	sadd.s32 $0x4, s24;
	[tilespmem:s23+$0xFFFFFFD0] =	vst v0;
	s23 =	sadd.s32 $0x80, s23  }
0x1f: {  	[tilespmem:s23+$0xFFFFFFC0] =	vst v0;
	p1 =	slt.u32 s24, $0x7C  }
0x20: {  	[tilespmem:s23+$0x30] =	vst v0  }
.Ltmp0:
0x21: {  	[tilespmem:s23+$0x20] =	vst v0;
	(pc) =	sbr.rel @p1 .LBB2_3-.Ltmp0, $4  }
0x22: {  	[tilespmem:s23+$0x10] =	vst v0  }
0x23: {  	[tilespmem:s23+$0x0] =	vst v0  }
0x24: {  	[tilespmem:s23+$0xFFFFFFF0] =	vst v0  }
0x25: {  	[tilespmem:s23+$0xFFFFFFE0] =	vst v0  }
0x26: {  	[tilespmem:s23+$0xFFFFFFD0] =	vst v0;
	s25 =	sshrl.u32 s22, $0x2  }
0x27: {  	[tilespmem:s12], [sflag:$0x1] =	stream.indirect.gather.add.bf16 [hbm:s5], $0x20, s25, s11, $0xb8;
	[tilespmem:$0x12800] =	vst v63  }
0x28: {  	s24 =	sadd.s32 $0x80, s25  }
0x29: {  	[tilespmem:s12], [sflag:$0x1] =	stream.indirect.gather.add.bf16 [hbm:s5], $0x20, s24, s11, $0xb8;
	[tilespmem:$0x12800] =	vst v63  }
0x2a: {  	s26 =	sadd.s32 $0x100, s25  }
0x2b: {  	[tilespmem:s12], [sflag:$0x1] =	stream.indirect.gather.add.bf16 [hbm:s5], $0x20, s26, s11, $0xb8;
	[tilespmem:$0x12800] =	vst v63  }
0x2c: {  	s28 =	sadd.s32 $0x180, s25  }
0x2d: {  	[tilespmem:s12], [sflag:$0x1] =	stream.indirect.gather.add.bf16 [hbm:s5], $0x20, s28, s11, $0xb8;
	[tilespmem:$0x12800] =	vst v63  }
0x2e: {  	s29 =	sadd.s32 $0x200, s25  }
0x2f: {  	[tilespmem:s12], [sflag:$0x1] =	stream.indirect.gather.add.bf16 [hbm:s5], $0x20, s29, s11, $0xb8;
	[tilespmem:$0x12800] =	vst v63  }
0x30: {  	s30 =	sadd.s32 $0x280, s25  }
0x31: {  	[tilespmem:s12], [sflag:$0x1] =	stream.indirect.gather.add.bf16 [hbm:s5], $0x20, s30, s11, $0xb8;
	[tilespmem:$0x12800] =	vst v63  }
.Ltmp1:
0x32: {  	_ = 	snop;
	(pc) =	sbr.rel @p0 .LBB2_5-.Ltmp1, $4  }
0x33: {  	s31 =	sadd.s32 $0x300, s25  }
0x34: {  	[tilespmem:s12], [sflag:$0x1] =	stream.indirect.gather.add.bf16 [hbm:s5], $0x20, s31, s11, $0xb8;
	[tilespmem:$0x12800] =	vst v63  }
0x35: {  	s23 =	sadd.s32 $0x380, s25  }
0x36: {  	[tilespmem:s12], [sflag:$0x1] =	stream.indirect.gather.add.bf16 [hbm:s5], $0x20, s23, s11, $0xb8;
	[tilespmem:$0x12800] =	vst v63  }
0x37: {  	_ =	swait.ge [sflag:s16], $0x1000  }
0x38: {  	[sflag:s16] =	ssyncset.done $0x0  }
0x39: {  	[sflag:s16] =	ssyncadd.s32 $0xFFFFF000  }
0x3a: {  	_ =	swait.ge [sflag:s16], $0x1000  }
0x3b: {  	[sflag:s16] =	ssyncset.done $0x0  }
0x3c: {  	[sflag:s16] =	ssyncadd.s32 $0xFFFFF000  }
0x3d: {  	_ =	swait.ge [sflag:s16], $0x1000  }
0x3e: {  	[sflag:s16] =	ssyncset.done $0x0  }
0x3f: {  	[sflag:s16] =	ssyncadd.s32 $0xFFFFF000  }
0x40: {  	_ =	swait.ge [sflag:s16], $0x1000  }
0x41: {  	[sflag:s16] =	ssyncset.done $0x0  }
0x42: {  	[sflag:s16] =	ssyncadd.s32 $0xFFFFF000  }
0x43: {  	_ =	swait.ge [sflag:s16], $0x1000  }
0x44: {  	[sflag:s16] =	ssyncset.done $0x0  }
0x45: {  	[sflag:s16] =	ssyncadd.s32 $0xFFFFF000  }
0x46: {  	_ =	swait.ge [sflag:s16], $0x1000  }
0x47: {  	[sflag:s16] =	ssyncset.done $0x0  }
0x48: {  	[sflag:s16] =	ssyncadd.s32 $0xFFFFF000  }
0x49: {  	_ =	swait.ge [sflag:s16], $0x1000  }
0x4a: {  	[sflag:s16] =	ssyncset.done $0x0  }
0x4b: {  	[sflag:s16] =	ssyncadd.s32 $0xFFFFF000  }
0x4c: {  	_ =	swait.ge [sflag:s16], $0x1000  }
0x4d: {  	[sflag:s16] =	ssyncset.done $0x0  }
0x4e: {  	s24 =	simm.s32 $0xD830;
	[sflag:s16] =	ssyncadd.s32 $0xFFFFF000  }
0x4f: {  	v1 =	vld [tilespmem:s24+$0xFFFFFFD0];
	_ =	sdelay $0x4  }
0x50: {  	s23 =	simm.s32 $0x10870;
	v2 =	vshll.u32 v1, $0x10  }
0x51: {  	v1 =	vand.u32 $0xFFFF0000, v1;
	[tilespmem:s23+$0xFFFFFF90] =	vst v2  }
0x52: {  	[tilespmem:s23+$0xFFFFFFA0] =	vst v1  }
0x53: {  	v1 =	vld [tilespmem:s24+$0xFFFFFFE0];
	_ =	sdelay $0x4  }
0x54: {  	v2 =	vshll.u32 v1, $0x10  }
0x55: {  	v1 =	vand.u32 $0xFFFF0000, v1;
	[tilespmem:s23+$0xFFFFFFB0] =	vst v2  }
0x56: {  	[tilespmem:s23+$0xFFFFFFC0] =	vst v1  }
0x57: {  	v1 =	vld [tilespmem:s24+$0xFFFFFFF0];
	_ =	sdelay $0x4  }
0x58: {  	v2 =	vand.u32 $0xFFFF0000, v1  }
0x59: {  	v1 =	vshll.u32 v1, $0x10;
	[tilespmem:s23+$0xFFFFFFE0] =	vst v2  }
0x5a: {  	[tilespmem:s23+$0xFFFFFFD0] =	vst v1  }
0x5b: {  	v1 =	vld [tilespmem:s24+$0x0];
	_ =	sdelay $0x4  }
0x5c: {  	v2 =	vshll.u32 v1, $0x10  }
0x5d: {  	v1 =	vand.u32 $0xFFFF0000, v1;
	[tilespmem:s23+$0xFFFFFFF0] =	vst v2  }
0x5e: {  	s25 =	simm.s32 $0xD870;
	s24 =	simm.s32 $0x0;
	[tilespmem:s23+$0x0] =	vst v1  }
.LBB2_7:
0x5f: {  	v1 =	vld [tilespmem:s25+$0xFFFFFFD0];
	_ =	sdelay $0x1  }
0x60: {  	s24 =	sadd.s32 $0x2, s24  }
0x61: {  	p0 =	slt.u32 s24, $0x7E;
	_ =	sdelay $0x1  }
0x62: {  	s23 =	sadd.s32 $0x80, s23;
	v2 =	vshll.u32 v1, $0x10  }
0x63: {  	v1 =	vand.u32 $0xFFFF0000, v1;
	[tilespmem:s23+$0xFFFFFF90] =	vst v2  }
0x64: {  	[tilespmem:s23+$0xFFFFFFA0] =	vst v1  }
0x65: {  	v1 =	vld [tilespmem:s25+$0xFFFFFFE0];
	_ =	sdelay $0x4  }
0x66: {  	v2 =	vshll.u32 v1, $0x10  }
0x67: {  	v1 =	vand.u32 $0xFFFF0000, v1;
	[tilespmem:s23+$0xFFFFFFB0] =	vst v2  }
0x68: {  	[tilespmem:s23+$0xFFFFFFC0] =	vst v1  }
0x69: {  	v1 =	vld [tilespmem:s25+$0xFFFFFFF0];
	_ =	sdelay $0x4  }
0x6a: {  	v2 =	vshll.u32 v1, $0x10;
	v1 =	vand.u32 $0xFFFF0000, v1  }
0x6b: {  	[tilespmem:s23+$0xFFFFFFE0] =	vst v1  }
0x6c: {  	[tilespmem:s23+$0xFFFFFFD0] =	vst v2  }
0x6d: {  	v1 =	vld [tilespmem:s25+$0x0];
	_ =	sdelay $0x2  }
.Ltmp2:
0x6e: {  	(pc) =	sbr.rel @p0 .LBB2_7-.Ltmp2, $4  }
0x6f: {  	_ = 	snop  }
0x70: {  	v2 =	vshll.u32 v1, $0x10;
	v1 =	vand.u32 $0xFFFF0000, v1  }
0x71: {  	[tilespmem:s23+$0xFFFFFFF0] =	vst v2  }
0x72: {  	s25 =	sadd.s32 $0x40, s25;
	[tilespmem:s23+$0x0] =	vst v1  }
0x73: {  	s23 =	sshll.u32 s21, $0xB  }
0x74: {  	s23 =	sadd.s32 s9, s23  }
0x75: {  	s23 =	sand.u32 $0x1FFFFC00, s23  }
.Ltmp3:
0x76: {  	s23 =	sadd.s32 s2, s23;
	(pc) =	sbr.rel .LBB2_9-.Ltmp3, $4  }
0x77: {  	[hbm4b:s23+s3] =	stream.linear.scatter [tilespmem:s17], [sflag:$0x4], $0x2000, $0x38;
	[tilespmem:$0x12800] =	vst v63  }
0x78: {  	_ =	swait.ge [sflag:s19], $0x2000  }
0x79: {  	[sflag:s19] =	ssyncset.done $0x0  }
0x7a: {  	s22 =	sor.u32 $0x1000, s22;
	[sflag:s19] =	ssyncadd.s32 $0xFFFFE000  }
.LBB2_5:
0x7b: {  	s22 =	simm.s32 $0x1000  }
.LBB2_9:
0x7c: {  	s23 =	simm.s32 $0xD870  }
0x7d: {  	[tilespmem:s23+$0xFFFFFF90] =	vst v0  }
0x7e: {  	[tilespmem:s23+$0x0] =	vst v0  }
0x7f: {  	[tilespmem:s23+$0xFFFFFFF0] =	vst v0  }
0x80: {  	[tilespmem:s23+$0xFFFFFFE0] =	vst v0  }
0x81: {  	[tilespmem:s23+$0xFFFFFFD0] =	vst v0  }
0x82: {  	[tilespmem:s23+$0xFFFFFFC0] =	vst v0  }
0x83: {  	s24 =	simm.s32 $0x0;
	[tilespmem:s23+$0xFFFFFFB0] =	vst v0  }
.LBB2_10:
0x84: {  	s24 =	sadd.s32 $0x4, s24;
	[tilespmem:s23+$0xFFFFFFA0] =	vst v0;
	s23 =	sadd.s32 $0x80, s23  }
0x85: {  	[tilespmem:s23+$0xFFFFFF90] =	vst v0;
	p0 =	slt.u32 s24, $0x7C  }
0x86: {  	[tilespmem:s23+$0x0] =	vst v0  }
.Ltmp4:
0x87: {  	[tilespmem:s23+$0xFFFFFFF0] =	vst v0;
	(pc) =	sbr.rel @p0 .LBB2_10-.Ltmp4, $4  }
0x88: {  	[tilespmem:s23+$0xFFFFFFE0] =	vst v0  }
0x89: {  	[tilespmem:s23+$0xFFFFFFD0] =	vst v0  }
0x8a: {  	[tilespmem:s23+$0xFFFFFFC0] =	vst v0  }
0x8b: {  	[tilespmem:s23+$0xFFFFFFB0] =	vst v0  }
0x8c: {  	[tilespmem:s23+$0xFFFFFFA0] =	vst v0;
	s22 =	sshrl.u32 s22, $0x2  }
0x8d: {  	[tilespmem:s13], [sflag:$0x2] =	stream.indirect.gather.add.bf16 [hbm:s5], $0x20, s22, s11, $0xb8;
	[tilespmem:$0x12800] =	vst v63  }
0x8e: {  	s24 =	sadd.s32 $0x80, s22  }
0x8f: {  	[tilespmem:s13], [sflag:$0x2] =	stream.indirect.gather.add.bf16 [hbm:s5], $0x20, s24, s11, $0xb8;
	[tilespmem:$0x12800] =	vst v63  }
0x90: {  	s25 =	sadd.s32 $0x100, s22  }
0x91: {  	[tilespmem:s13], [sflag:$0x2] =	stream.indirect.gather.add.bf16 [hbm:s5], $0x20, s25, s11, $0xb8;
	[tilespmem:$0x12800] =	vst v63  }
0x92: {  	s26 =	sadd.s32 $0x180, s22  }
0x93: {  	[tilespmem:s13], [sflag:$0x2] =	stream.indirect.gather.add.bf16 [hbm:s5], $0x20, s26, s11, $0xb8;
	[tilespmem:$0x12800] =	vst v63  }
0x94: {  	s28 =	sadd.s32 $0x200, s22  }
0x95: {  	[tilespmem:s13], [sflag:$0x2] =	stream.indirect.gather.add.bf16 [hbm:s5], $0x20, s28, s11, $0xb8;
	[tilespmem:$0x12800] =	vst v63  }
0x96: {  	s29 =	sadd.s32 $0x280, s22  }
0x97: {  	[tilespmem:s13], [sflag:$0x2] =	stream.indirect.gather.add.bf16 [hbm:s5], $0x20, s29, s11, $0xb8;
	[tilespmem:$0x12800] =	vst v63  }
0x98: {  	s30 =	sadd.s32 $0x300, s22  }
0x99: {  	[tilespmem:s13], [sflag:$0x2] =	stream.indirect.gather.add.bf16 [hbm:s5], $0x20, s30, s11, $0xb8;
	[tilespmem:$0x12800] =	vst v63  }
0x9a: {  	s22 =	sadd.s32 $0x380, s22  }
0x9b: {  	[tilespmem:s13], [sflag:$0x2] =	stream.indirect.gather.add.bf16 [hbm:s5], $0x20, s22, s11, $0xb8;
	[tilespmem:$0x12800] =	vst v63  }
0x9c: {  	_ =	swait.ge [sflag:s14], $0x1000  }
0x9d: {  	[sflag:s14] =	ssyncset.done $0x0  }
0x9e: {  	[sflag:s14] =	ssyncadd.s32 $0xFFFFF000  }
0x9f: {  	_ =	swait.ge [sflag:s14], $0x1000  }
0xa0: {  	[sflag:s14] =	ssyncset.done $0x0  }
0xa1: {  	[sflag:s14] =	ssyncadd.s32 $0xFFFFF000  }
0xa2: {  	_ =	swait.ge [sflag:s14], $0x1000  }
0xa3: {  	[sflag:s14] =	ssyncset.done $0x0  }
0xa4: {  	[sflag:s14] =	ssyncadd.s32 $0xFFFFF000  }
0xa5: {  	_ =	swait.ge [sflag:s14], $0x1000  }
0xa6: {  	[sflag:s14] =	ssyncset.done $0x0  }
0xa7: {  	[sflag:s14] =	ssyncadd.s32 $0xFFFFF000  }
0xa8: {  	_ =	swait.ge [sflag:s14], $0x1000  }
0xa9: {  	[sflag:s14] =	ssyncset.done $0x0  }
0xaa: {  	[sflag:s14] =	ssyncadd.s32 $0xFFFFF000  }
0xab: {  	_ =	swait.ge [sflag:s14], $0x1000  }
0xac: {  	[sflag:s14] =	ssyncset.done $0x0  }
0xad: {  	[sflag:s14] =	ssyncadd.s32 $0xFFFFF000  }
0xae: {  	_ =	swait.ge [sflag:s14], $0x1000  }
0xaf: {  	[sflag:s14] =	ssyncset.done $0x0  }
0xb0: {  	[sflag:s14] =	ssyncadd.s32 $0xFFFFF000  }
0xb1: {  	_ =	swait.ge [sflag:s14], $0x1000  }
0xb2: {  	[sflag:s14] =	ssyncset.done $0x0  }
0xb3: {  	s31 =	simm.s32 $0xC820;
	[sflag:s14] =	ssyncadd.s32 $0xFFFFF000  }
0xb4: {  	v1 =	vld [tilespmem:s31+$0xFFFFFFE0];
	_ =	sdelay $0x4  }
0xb5: {  	s22 =	simm.s32 $0xE840;
	v2 =	vshll.u32 v1, $0x10  }
0xb6: {  	v1 =	vand.u32 $0xFFFF0000, v1;
	[tilespmem:s22+$0xFFFFFFC0] =	vst v2  }
0xb7: {  	[tilespmem:s22+$0xFFFFFFD0] =	vst v1  }
0xb8: {  	v1 =	vld [tilespmem:s31+$0xFFFFFFF0];
	_ =	sdelay $0x4  }
0xb9: {  	v2 =	vshll.u32 v1, $0x10  }
0xba: {  	v1 =	vand.u32 $0xFFFF0000, v1;
	[tilespmem:s22+$0xFFFFFFE0] =	vst v2  }
0xbb: {  	[tilespmem:s22+$0xFFFFFFF0] =	vst v1  }
0xbc: {  	v1 =	vld [tilespmem:s31+$0x0];
	_ =	sdelay $0x4  }
0xbd: {  	v2 =	vand.u32 $0xFFFF0000, v1  }
0xbe: {  	v1 =	vshll.u32 v1, $0x10;
	[tilespmem:s22+$0x10] =	vst v2  }
0xbf: {  	[tilespmem:s22+$0x0] =	vst v1  }
0xc0: {  	v1 =	vld [tilespmem:s31+$0x10];
	_ =	sdelay $0x4  }
0xc1: {  	v2 =	vshll.u32 v1, $0x10  }
0xc2: {  	v1 =	vand.u32 $0xFFFF0000, v1;
	[tilespmem:s22+$0x20] =	vst v2  }
0xc3: {  	s23 =	simm.s32 $0x0;
	s24 =	simm.s32 $0xC860;
	[tilespmem:s22+$0x30] =	vst v1  }
.LBB2_12:
0xc4: {  	v1 =	vld [tilespmem:s24+$0xFFFFFFE0];
	_ =	sdelay $0x1  }
0xc5: {  	s23 =	sadd.s32 $0x2, s23  }
0xc6: {  	p0 =	slt.u32 s23, $0x7E;
	_ =	sdelay $0x1  }
0xc7: {  	s22 =	sadd.s32 $0x80, s22;
	v2 =	vshll.u32 v1, $0x10  }
0xc8: {  	v1 =	vand.u32 $0xFFFF0000, v1;
	[tilespmem:s22+$0xFFFFFFC0] =	vst v2  }
0xc9: {  	[tilespmem:s22+$0xFFFFFFD0] =	vst v1  }
0xca: {  	v1 =	vld [tilespmem:s24+$0xFFFFFFF0];
	_ =	sdelay $0x4  }
0xcb: {  	v2 =	vshll.u32 v1, $0x10  }
0xcc: {  	v1 =	vand.u32 $0xFFFF0000, v1;
	[tilespmem:s22+$0xFFFFFFE0] =	vst v2  }
0xcd: {  	[tilespmem:s22+$0xFFFFFFF0] =	vst v1  }
0xce: {  	v1 =	vld [tilespmem:s24+$0x0];
	_ =	sdelay $0x4  }
0xcf: {  	v2 =	vshll.u32 v1, $0x10;
	v1 =	vand.u32 $0xFFFF0000, v1  }
0xd0: {  	[tilespmem:s22+$0x10] =	vst v1  }
0xd1: {  	[tilespmem:s22+$0x0] =	vst v2  }
0xd2: {  	v1 =	vld [tilespmem:s24+$0x10];
	_ =	sdelay $0x2  }
.Ltmp5:
0xd3: {  	(pc) =	sbr.rel @p0 .LBB2_12-.Ltmp5, $4  }
0xd4: {  	_ = 	snop  }
0xd5: {  	v2 =	vshll.u32 v1, $0x10;
	v1 =	vand.u32 $0xFFFF0000, v1  }
0xd6: {  	[tilespmem:s22+$0x20] =	vst v2  }
0xd7: {  	s24 =	sadd.s32 $0x40, s24;
	[tilespmem:s22+$0x30] =	vst v1  }
0xd8: {  	s22 =	sshll.u32 s21, $0xE;
	s21 =	sadd.s32 $0x1, s21  }
0xd9: {  	p0 =	sne.s32 s21, $0x19  }
.Ltmp6:
0xda: {  	_ = 	snop;
	(pc) =	sbr.rel @p0 .LBB2_2-.Ltmp6, $4  }
0xdb: {  	s22 =	sadd.s32 s4, s22  }
0xdc: {  	s22 =	sshrl.u32 s22, $0x3  }
0xdd: {  	s22 =	sadd.s32 s2, s22  }
0xde: {  	[hbm4b:s22+s3] =	stream.linear.scatter [tilespmem:s15], [sflag:$0x3], $0x2000, $0x38;
	[tilespmem:$0x12800] =	vst v63  }
0xdf: {  	_ =	swait.ge [sflag:s16], $0x1000  }
0xe0: {  	[sflag:s16] =	ssyncset.done $0x0  }
0xe1: {  	[sflag:s16] =	ssyncadd.s32 $0xFFFFF000  }
0xe2: {  	_ =	swait.ge [sflag:s16], $0x1000  }
0xe3: {  	[sflag:s16] =	ssyncset.done $0x0  }
0xe4: {  	[sflag:s16] =	ssyncadd.s32 $0xFFFFF000  }
0xe5: {  	_ =	swait.ge [sflag:s16], $0x1000  }
0xe6: {  	[sflag:s16] =	ssyncset.done $0x0  }
0xe7: {  	[sflag:s16] =	ssyncadd.s32 $0xFFFFF000  }
0xe8: {  	_ =	swait.ge [sflag:s16], $0x1000  }
0xe9: {  	[sflag:s16] =	ssyncset.done $0x0  }
0xea: {  	[sflag:s16] =	ssyncadd.s32 $0xFFFFF000  }
0xeb: {  	_ =	swait.ge [sflag:s16], $0x1000  }
0xec: {  	[sflag:s16] =	ssyncset.done $0x0  }
0xed: {  	[sflag:s16] =	ssyncadd.s32 $0xFFFFF000  }
0xee: {  	_ =	swait.ge [sflag:s16], $0x1000  }
0xef: {  	[sflag:s16] =	ssyncset.done $0x0  }
0xf0: {  	[sflag:s16] =	ssyncadd.s32 $0xFFFFF000  }
0xf1: {  	_ =	swait.ge [sflag:s16], $0x1000  }
0xf2: {  	[sflag:s16] =	ssyncset.done $0x0  }
0xf3: {  	[sflag:s16] =	ssyncadd.s32 $0xFFFFF000  }
0xf4: {  	_ =	swait.ge [sflag:s16], $0x1000  }
0xf5: {  	[sflag:s16] =	ssyncset.done $0x0  }
0xf6: {  	s22 =	simm.s32 $0xD830;
	[sflag:s16] =	ssyncadd.s32 $0xFFFFF000  }
0xf7: {  	v1 =	vld [tilespmem:s22+$0xFFFFFFD0];
	_ =	sdelay $0x4  }
0xf8: {  	s21 =	simm.s32 $0x10870;
	v2 =	vshll.u32 v1, $0x10  }
0xf9: {  	v1 =	vand.u32 $0xFFFF0000, v1;
	[tilespmem:s21+$0xFFFFFF90] =	vst v2  }
0xfa: {  	[tilespmem:s21+$0xFFFFFFA0] =	vst v1  }
0xfb: {  	v1 =	vld [tilespmem:s22+$0xFFFFFFE0];
	_ =	sdelay $0x4  }
0xfc: {  	v2 =	vshll.u32 v1, $0x10  }
0xfd: {  	v1 =	vand.u32 $0xFFFF0000, v1;
	[tilespmem:s21+$0xFFFFFFB0] =	vst v2  }
0xfe: {  	[tilespmem:s21+$0xFFFFFFC0] =	vst v1  }
0xff: {  	v1 =	vld [tilespmem:s22+$0xFFFFFFF0];
	_ =	sdelay $0x4  }
0x100: {  	v2 =	vand.u32 $0xFFFF0000, v1  }
0x101: {  	v1 =	vshll.u32 v1, $0x10;
	[tilespmem:s21+$0xFFFFFFE0] =	vst v2  }
0x102: {  	[tilespmem:s21+$0xFFFFFFD0] =	vst v1  }
0x103: {  	v1 =	vld [tilespmem:s22+$0x0];
	_ =	sdelay $0x4  }
0x104: {  	v2 =	vshll.u32 v1, $0x10  }
0x105: {  	v1 =	vand.u32 $0xFFFF0000, v1;
	[tilespmem:s21+$0xFFFFFFF0] =	vst v2  }
0x106: {  	s23 =	simm.s32 $0xD870;
	s22 =	simm.s32 $0x0;
	[tilespmem:s21+$0x0] =	vst v1  }
.LBB2_15:
0x107: {  	v1 =	vld [tilespmem:s23+$0xFFFFFFD0];
	_ =	sdelay $0x1  }
0x108: {  	s22 =	sadd.s32 $0x2, s22  }
0x109: {  	p0 =	slt.u32 s22, $0x7E;
	_ =	sdelay $0x1  }
0x10a: {  	s21 =	sadd.s32 $0x80, s21;
	v2 =	vshll.u32 v1, $0x10  }
0x10b: {  	v1 =	vand.u32 $0xFFFF0000, v1;
	[tilespmem:s21+$0xFFFFFF90] =	vst v2  }
0x10c: {  	[tilespmem:s21+$0xFFFFFFA0] =	vst v1  }
0x10d: {  	v1 =	vld [tilespmem:s23+$0xFFFFFFE0];
	_ =	sdelay $0x4  }
0x10e: {  	v2 =	vshll.u32 v1, $0x10  }
0x10f: {  	v1 =	vand.u32 $0xFFFF0000, v1;
	[tilespmem:s21+$0xFFFFFFB0] =	vst v2  }
0x110: {  	[tilespmem:s21+$0xFFFFFFC0] =	vst v1  }
0x111: {  	v1 =	vld [tilespmem:s23+$0xFFFFFFF0];
	_ =	sdelay $0x4  }
0x112: {  	v2 =	vshll.u32 v1, $0x10;
	v1 =	vand.u32 $0xFFFF0000, v1  }
0x113: {  	[tilespmem:s21+$0xFFFFFFE0] =	vst v1  }
0x114: {  	[tilespmem:s21+$0xFFFFFFD0] =	vst v2  }
0x115: {  	v1 =	vld [tilespmem:s23+$0x0];
	_ =	sdelay $0x2  }
.Ltmp7:
0x116: {  	(pc) =	sbr.rel @p0 .LBB2_15-.Ltmp7, $4  }
0x117: {  	_ = 	snop  }
0x118: {  	v2 =	vshll.u32 v1, $0x10;
	v1 =	vand.u32 $0xFFFF0000, v1  }
0x119: {  	[tilespmem:s21+$0xFFFFFFF0] =	vst v2  }
0x11a: {  	s23 =	sadd.s32 $0x40, s23;
	[tilespmem:s21+$0x0] =	vst v1  }
0x11b: {  	[hbm4b:s7+s3] =	stream.linear.scatter [tilespmem:s17], [sflag:$0x4], $0x2000, $0x38;
	[tilespmem:$0x12800] =	vst v63  }
0x11c: {  	s20 =	sadd.s32 $0x1, s20  }
0x11d: {  	_ =	swait.ge [sflag:s18], $0x2000;
	p0 =	sne.s32 s20, s8  }
.Ltmp8:
0x11e: {  	[sflag:s18] =	ssyncset.done $0x0;
	(pc) =	sbr.rel @p0 .LBB2_1-.Ltmp8, $4  }
0x11f: {  	[sflag:s18] =	ssyncadd.s32 $0xFFFFE000  }
0x120: {  	_ =	swait.ge [sflag:s19], $0x2000  }
0x121: {  	[sflag:s19] =	ssyncset.done $0x0  }
0x122: {  	[sflag:s19] =	ssyncadd.s32 $0xFFFFE000  }
0x123: {  	_ =	sfence.sel $0x180000  }
0x124: {  	[bflag:$0x0] =	sbarrier.arrive $0xFFFF  }
0x125: {  	p0 =	sne.s32 s0, $0x0;
	_ =	strace $0x90000047  }
0x126: {  	s0 =	sadd.s32 @!p0 $0x100000, s1;
	[bflag:$0x2] =	sbarrier.arrive $0xFFFF  }
0x127: {  	[sflag:s0] =	ssyncadd.tile.s32 @!p0 $0x1;
	_ =	shalt  }
.Lfunc_end2:
_tile_overlayer_lowered:
.L_overlay_start_2:
0x128: {  	(tag) =	ssettag $0x2  }
0x129: {  	s0 =	rddreg [dreg:$0x0];
	s2 =	stileid.u32  }
0x12a: {  	s1 =	rddreg [dreg:$0x1];
	p0 =	sne.s32 s2, $0x0  }
0x12b: {  	s3 =	rddreg [dreg:$0x2];
	[bflag:$0x3] =	sbarrier.arrive $0xFFFF;
	s2 =	simm.s32 @!p0 $0x1C05  }
0x12c: {  	[timem:s3], [sflag:s2] =	dma.local @!p0 [hbm:s0], s1  }
0x12d: {  	s0 =	simm.s32 @!p0 $0x5  }
0x12e: {  	_ =	swait.ge @!p0 [sflag:s0], s1  }
0x12f: {  	s1 =	ssub.s32 @!p0 $0x0, s1;
	[sflag:s0] =	ssyncset.done @!p0 $0x0  }
0x130: {  	[sflag:s0] =	ssyncadd.s32 @!p0 s1  }
0x131: {  	[bflag:$0x3] =	sbarrier.arrive $0xFFFF  }
0x132: {  	_ =	shalt  }

// kernel: sparse-core-data-format-call.cloned.1.call-start
scs
called_computation_lowered:
.L_overlay_start_0:
0x0: {  	s2 =	sld [smem:$0x3FD9]  }
0x1: {  	s3 =	sld [smem:$0x3FFE];
	_ =	sdelay $0x1  }
0x2: {  	s1 =	srdreg.scid  }
0x3: {  	s0 =	sand.u32 $0x1, s1  }
0x4: {  	s18 =	sshll.u32 s0, $0xA;
	s2 =	sadd.s32 s3, s2  }
0x5: {  	s2 =	sadd.s32 s2, s18  }
0x6: {  	[smem:$0x3FC6] =	sst s2  }
0x7: {  	_ = 	snop  }
0x8: {  	s2 =	sld [smem:$0x3FD0];
	(tm) =	ssettm $0x1  }
0x9: {  	s19 =	sld [smem:$0x3FFB];
	_ =	sdelay $0x3  }
0xa: {  	_ =	strace s19  }
0xb: {  	s3 =	sld [smem:$0x3FFC];
	_ =	sdelay $0x3  }
0xc: {  	_ =	strace s3  }
0xd: {  	s3 =	sld [smem:$0x3FFD];
	_ =	sdelay $0x3  }
0xe: {  	_ =	strace s3  }
0xf: {  	_ =	strace $0x8FFFFFFF  }
0x10: {  	s20 =	sld [smem:$0x3FDB];
	_ =	sdelay $0x1  }
0x11: {  	s4 =	simm.s32 $_scs_section_size  }
0x12: {  	s5 =	simm.s32 $_size__tile_overlayer_lowered;
	s6 =	simm.s32 $_tile_overlayer_lowered  }
0x13: {  	s23 =	simm.s32 $0x1BFF;
	s22 =	sshll.u32 s6, $0x1;
	s3 =	sadd.s32 s4, s20  }
0x14: {  	s7 =	simm.s32 $0x0;
	s21 =	sshll.u32 s5, $0x1;
	s5 =	sadd.s32 s22, s3  }
0x15: {  	[timem:s7], [sflag:s23] =	dma.local [hbm:s5], s21  }
0x16: {  	_ =	swait.ge [sflag:s23], s21  }
0x17: {  	s4 =	ssub.s32 $0x0, s21;
	[sflag:s23] =	ssyncset.done $0x0  }
0x18: {  	[sflag:s23] =	ssyncadd.s32 s4;
	_ =	sdelay $0x1  }
0x19: {  	s24 =	simm.s32 $0x1B8B  }
0x1a: {  	_ =	swait.ge [sflag:s24], $0x1  }
0x1b: {  	[sflag:s24] =	ssyncset.done $0x0  }
0x1c: {  	s26 =	simm.s32 $0x1B8E;
	s25 =	sld [smem:$0x3FFE];
	[sflag:s24] =	ssyncadd.s32 $0xFFFFFFFF  }
0x1d: {  	s27 =	simm.s32 $execute0_lowered;
	[smem:$0x3FD2] =	sst s26  }
0x1e: {  	s5 =	sshll.u32 s27, $0x1;
	_ =	strace $0x80000049;
	[dreg:$0x1] =	wrdreg $0xFFFFFFFF  }
0x1f: {  	s28 =	simm.s32 $_size_execute0_lowered;
	s3 =	sadd.s32 s3, s5;
	[dreg:$0x0] =	wrdreg $0x0  }
0x20: {  	s5 =	sshll.u32 s28, $0x1;
	[dreg:$0x2] =	wrdreg s3  }
0x21: {  	[dreg:$0x3] =	wrdreg s5  }
0x22: {  	[dreg:$0x4] =	wrdreg $0xC0  }
0x23: {  	_ =	task [dreg:s7], $0x5FFFF  }
0x24: {  	[dreg:$0x1] =	wrdreg $0xFFFFFFFF  }
0x25: {  	[dreg:$0x0] =	wrdreg $0x60  }
0x26: {  	[dreg:$0x2] =	wrdreg s25  }
0x27: {  	[dreg:$0x3] =	wrdreg s2  }
0x28: {  	[dreg:$0x4] =	wrdreg $0x9  }
0x29: {  	_ =	task.clear_ibuf [dreg:s7], $0x5FFFF;
	_ =	strace $0x90000049  }
0x2a: {  	s29 =	simm.s32 $0x9;
	_ =	strace $0x8000004B  }
0x2b: {  	_ =	swait.ge [sflag:s29], $0x1  }
0x2c: {  	[sflag:s29] =	ssyncadd.s32 $0xFFFFFFFF  }
0x2d: {  	_ =	strace $0x9000004B  }
0x2e: {  	_ =	sfence  }
0x2f: {  	s30 =	sld [smem:$0x0];
	_ =	sdelay $0x2  }
0x30: {  	s31 =	sshll.u32 s1, $0xD;
	s1 =	sshrl.u32 s1, $0x2  }
0x31: {  	s3 =	sand.u32 $0x4000, s31;
	s1 =	sadd.s32 s1, s30  }
0x32: {  	s0 =	sor.u32 s3, s0;
	s1 =	sshll.u32 s1, $0x11  }
0x33: {  	s0 =	sor.u32 s1, s0  }
0x34: {  	s0 =	sadd.s32 $0x8F2B, s0  }
0x35: {  	[sflag:s0] =	ssyncadd.remote.s32 $0x1  }
0x36: {  	_ =	sfence.sel $0xFFFF  }
0x37: {  	[dreg:$0x0] =	wrdreg $0xFFFFFFFF;
	(pc) =	sbr.abs _section_cstart, $3  }
0x38: {  	[dreg:$0x1] =	wrdreg $0xFFFFFFFF  }
0x39: {  	_ =	task.clear_ibuf [dreg:s7], $0x2FFFF;
	_ =	strace $0x9FFFFFFF  }
0x3a: {  	(tm) =	ssettm $0x7FFFFFFF  }
0x3b: {  	_ =	shalt  }
tec
execute0_lowered:
.L_overlay_start_1:
0x0: {  	(tag) =	ssettag $0x1  }
0x1: {  	s0 =	srdreg.scid  }
0x2: {  	s1 =	sshll.u32 s0, $0x4  }
0x3: {  	s0 =	stileid.u32;
	s1 =	sand.u32 $0x10, s1  }
0x4: {  	s1 =	sor.u32 s0, s1  }
0x5: {  	s6 =	rddreg [dreg:$0x0];
	s4 =	simm.s32 $0x1;
	s2 =	sshll.u32 s1, $0x7  }
0x6: {  	s7 =	simm.s32 $0x2;
	s12 =	simm.s32 $0x0;
	s1 =	ssub.s32 $0x1000, s2  }
0x7: {  	s8 =	simm.s32 $0x8000;
	s13 =	simm.s32 $0x0;
	s3 =	sand.u32 $0xF80, s1  }
0x8: {  	s9 =	simm.s32 $0x0;
	s5 =	sshrl.u32 s1, $0xC;
	p0 =	sne.s32 s3, $0x0  }
.Ltmp0:
0x9: {  	s1 =	rddreg [dreg:$0x2];
	s4 =	simm.s32 @!p0 $0x0;
	(pc) =	sbr.rel .LBB1_1-.Ltmp0, $4  }
0xa: {  	s11 =	simm.s32 $0x0;
	s3 =	rddreg [dreg:$0x1];
	s5 =	sadd.s32 s4, s5  }
0xb: {  	_ =	strace $0x8000004A;
	s4 =	simm.s32 $0x1;
	s5 =	smul.u32 $0x32, s5  }
0xc: {  	s6 =	sadd.s32 $0x1800, s6;
	s10 =	smov.u32 s2;
	[sflag:s4] =	ssyncpa.u1 $0x0  }
0xd: {  	p0 =	por $0x0, $0x0;
	[sflag:s7] =	ssyncpa.u1 $0x0;
	s7 =	sor.u32 $0x1, s5  }
.LBB1_4:
0xe: {  	s16 =	sshll.u32 s13, $0x3;
	s17 =	sand.u32 $0x78, s13  }
0xf: {  	s30 =	sand.u32 $0x7E00, s13;
	s12 =	sshll.u32 s12, $0xF;
	s16 =	sand.u32 $0xC00, s16  }
0x10: {  	[tilespmem:s15+$0x810 ss:$0x81] =	vst.msk $0xffff, v2;
	s31 =	sand.u32 $0x7, s13;
	s16 =	sor.u32 s17, s16;
	s17 =	sadd.s32 s3, s30  }
0x11: {  	[tilespmem:s15+$0x1020 ss:$0x81] =	vst.msk $0xffff, v0;
	s13 =	sshll.u32 s31, $0x12;
	s12 =	sadd.s32 s12, s17;
	s16 =	sshrl.u32 s16, $0x3  }
0x12: {  	[tilespmem:s15+$0x0 ss:$0x81] =	vst.msk $0xffff, v1;
	s13 =	sor.u32 $0x400, s13;
	s12 =	sadd.s32 s16, s12  }
0x13: {  	[hbm4b:s12+s13] =	stream.strided.scatter [tilespmem:s14], [sflag:$0x2], $0x2000, s8, s13, $0x20;
	[tilespmem:$0x8080] =	vst v63  }
.LBB1_5:
0x14: {  	s14 =	sadd.s32 $0x1, s9  }
0x15: {  	s12 =	sadd.s32 $0x1000, s10;
	s16 =	smov.u32 s10;
	p2 =	sgt.s32 s14, $0x31  }
0x16: {  	s16 =	smov.u32 @p2 s12  }
0x17: {  	s14 =	simm.s32 @p2 $0x0;
	p2 =	sgt.s32 s16, $0xFFF  }
0x18: {  	s16 =	smov.u32 @p2 s2;
	p2 =	sne.s32 s11, s7  }
.Ltmp1:
0x19: {  	p1 =	slt.u32 s11, $0x2;
	(pc) =	sbr.rel @!p2 .LBB1_6-.Ltmp1, $4  }
0x1a: {  	s15 =	simm.s32 @!p1 $0x2  }
0x1b: {  	s13 =	smov.u32 s10;
	p0 =	por !p0, !p0;
	_ =	swait.ge @!p1 [sflag:s15], $0x2000  }
0x1c: {  	s12 =	smov.u32 s9;
	[sflag:s15] =	ssyncset.done @!p1 $0x0;
	s9 =	smov.u32 s14  }
0x1d: {  	s11 =	sadd.s32 $0x1, s11;
	[sflag:s15] =	ssyncadd.s32 @!p1 $0xFFFFE000;
	s10 =	smov.u32 s16  }
.LBB1_1:
0x1e: {  	p1 =	sge.u32 s11, s5  }
0x1f: {  	s14 =	sand.u32 @!p1 $0x1FFFFFF, s9  }
0x20: {  	s15 =	smulhi.u32 @!p1 $0x4924925, s14;
	_ =	sdelay $0x1  }
0x21: {  	s15 =	smul.u32 @!p1 $0x38, s15  }
0x22: {  	s16 =	sxor.u32 @!p1 $0xFFFFFFFF, s11;
	s17 =	smul.u32 @!p1 $0x380, s10  }
0x23: {  	s31 =	sadd.s32 $0xFFFFFFFF, s11;
	s16 =	sshll.u32 @!p1 s16, $0xD;
	s14 =	ssub.s32 @!p1 s14, s15  }
0x24: {  	s15 =	sand.u32 @!p1 $0x2000, s16;
	s16 =	sadd.s32 @!p1 s6, s17;
	s14 =	sshll.u32 @!p1 s14, $0x4  }
0x25: {  	s17 =	simm.s32 @!p1 $0x1C00;
	s14 =	sadd.s32 @!p1 s14, s16;
	s16 =	simm.s32 @!p1 $0x40  }
0x26: {  	[tilespmem:s15], [sflag:$0x1] =	stream.strided.gather @!p1 [hbm4b:s14+s16], $0x2000, s17, s16, $0x38;
	[tilespmem:$0x8080] =	vst v63  }
0x27: {  	p1 =	sge.u32 s31, s5  }
.Ltmp2:
0x28: {  	_ = 	snop;
	(pc) =	sbr.rel @p1 .LBB1_5-.Ltmp2, $1  }
0x29: {  	_ =	sdelay $0x3  }
0x2a: {  	s14 =	simm.s32 $0x1  }
0x2b: {  	_ =	swait.ge [sflag:s4], $0x2000;
	s14 =	simm.s32 @!p0 $0x0  }
0x2c: {  	[sflag:s4] =	ssyncset.done $0x0;
	s15 =	sshll.u32 s14, $0xD  }
0x2d: {  	[sflag:s4] =	ssyncadd.s32 $0xFFFFE000;
	s18 =	sor.u32 $0x20, s15  }
0x2e: {  	s14 =	smul.u32 $0x8100, s14;
	v3 =	vld [tilespmem:s18+$0x10]  }
0x2f: {  	s30 =	sand.u32 $0x1, s11;
	v2 =	vld [tilespmem:s18+$0xFFFFFFF0]  }
0x30: {  	s15 =	smul.u32 $0x8100, s30;
	s14 =	sshrl.u32 s14, $0x2;
	v0 =	vld [tilespmem:s18+$0x0]  }
0x31: {  	v1 =	vld [tilespmem:s18+$0xFFFFFFE0];
	s16 =	sor.u32 $0x4000, s14  }
0x32: {  	s31 =	sshrl.u32 s15, $0x2;
	s15 =	sadd.s32 $0x0, s16  }
0x33: {  	s17 =	simm.s32 $0x4;
	s18 =	sadd.s32 $0x40, s18;
	s14 =	sor.u32 $0x4000, s31;
	[tilespmem:s15+$0x1830 ss:$0x81] =	vst.msk $0xffff, v3  }
.LBB1_3:
0x34: {  	v3 =	vld [tilespmem:s18+$0x10];
	p1 =	sne.s32 s17, $0x1FC;
	[tilespmem:s15+$0x810 ss:$0x81] =	vst.msk $0xffff, v2;
	s19 =	smov.u32 s17;
	s17 =	sadd.s32 $0x4, s17  }
.Ltmp3:
0x35: {  	v2 =	vld [tilespmem:s18+$0xFFFFFFF0];
	[tilespmem:s15+$0x1020 ss:$0x81] =	vst.msk $0xffff, v0;
	(pc) =	sbr.rel @p1 .LBB1_3-.Ltmp3, $4  }
0x36: {  	v0 =	vld [tilespmem:s18+$0x0];
	[tilespmem:s15+$0x0 ss:$0x81] =	vst.msk $0xffff, v1  }
0x37: {  	s15 =	sshra.s32 s19, $0x2;
	v1 =	vld [tilespmem:s18+$0xFFFFFFE0]  }
0x38: {  	s15 =	sadd.s32 s15, s16  }
0x39: {  	s18 =	sadd.s32 $0x40, s18;
	[tilespmem:s15+$0x1830 ss:$0x81] =	vst.msk $0xffff, v3  }
.Ltmp4:
0x3a: {  	_ = 	snop;
	(pc) =	sbr.rel .LBB1_4-.Ltmp4, $1  }
0x3b: {  	_ =	sdelay $0x3  }
.LBB1_6:
0x3c: {  	_ =	sfence.sel $0x180000  }
0x3d: {  	s2 =	simm.s32 $0x1;
	[bflag:$0x0] =	sbarrier.arrive $0xFFFF  }
0x3e: {  	s31 =	simm.s32 $0x2;
	[sflag:s2] =	ssyncpa.u1 $0x1  }
0x3f: {  	[sflag:s31] =	ssyncpa.u1 $0x1  }
0x40: {  	p0 =	sne.s32 s0, $0x0;
	_ =	strace $0x9000004A  }
0x41: {  	s0 =	sadd.s32 @!p0 $0x100000, s1;
	[bflag:$0x2] =	sbarrier.arrive $0xFFFF  }
0x42: {  	[sflag:s0] =	ssyncadd.tile.s32 @!p0 $0x1;
	_ =	shalt  }
.Lfunc_end1:
_tile_overlayer_lowered:
.L_overlay_start_2:
0x43: {  	(tag) =	ssettag $0x2  }
0x44: {  	s0 =	rddreg [dreg:$0x0];
	s2 =	stileid.u32  }
0x45: {  	s1 =	rddreg [dreg:$0x1];
	p0 =	sne.s32 s2, $0x0  }
0x46: {  	s3 =	rddreg [dreg:$0x2];
	[bflag:$0x3] =	sbarrier.arrive $0xFFFF;
	s2 =	simm.s32 @!p0 $0x1C01  }
0x47: {  	[timem:s3], [sflag:s2] =	dma.local @!p0 [hbm:s0], s1  }
0x48: {  	s0 =	simm.s32 @!p0 $0x1  }
0x49: {  	_ =	swait.ge @!p0 [sflag:s0], s1  }
0x4a: {  	s1 =	ssub.s32 @!p0 $0x0, s1;
	[sflag:s0] =	ssyncset.done @!p0 $0x0  }
0x4b: {  	[sflag:s0] =	ssyncadd.s32 @!p0 s1  }
0x4c: {  	[bflag:$0x3] =	sbarrier.arrive $0xFFFF  }
0x4d: {  	_ =	shalt  }

</sc_bundles>
